<compile_context>
chip_gen: v7x
topology: tpu7x:2x2x1
jax: 0.10.2.dev20260603
libtpu: 0.0.44.dev20260713+nightly
codegen_flags: <defaults>
</compile_context>

<pallas_src>
import functools

import jax
import jax.numpy as jnp
from jax import lax
from jax.experimental import pallas as pl
from jax.experimental.pallas import tpu as pltpu
from jax.experimental.pallas import tpu_sc as plsc

N = 10000
E = 320000
D = 128
H = 64
C = 16

NC = 2
NS = 16
NW = NC * NS
G = 128
GT = 80
EPAD = NW * GT * G
NPAD = 10240
RPT = NPAD // NS
DW = 16


def _zero_rows(ref, nrows, width):
  @pl.loop(0, nrows)
  def _(r):
    for c in range(width // 16):
      ref[r, pl.ds(c * 16, 16)] = jnp.zeros((16,), jnp.float32)


def _wid():
  return lax.axis_index("c") * NS + lax.axis_index("s")


def _deg_body(dst_r, degp, idxb, onesb, zb, acc):
  cid = lax.axis_index("c")
  tid = lax.axis_index("s")
  wid = _wid()

  _zero_rows(zb, G, DW)

  @pl.loop(0, G)
  def _(r):
    onesb[r, :] = jnp.ones((16,), jnp.float32)

  for k in range(RPT // G):
    pltpu.sync_copy(zb, acc.at[pl.ds(tid * RPT + k * G, G)])
  plsc.subcore_barrier()

  pltpu.sync_copy(dst_r.at[pl.ds(wid * GT, GT)], idxb)

  @pl.loop(0, GT)
  def _(j):
    pltpu.sync_copy(onesb, acc.at[idxb.at[j]], add=True)

  plsc.subcore_barrier()
  pltpu.sync_copy(acc.at[pl.ds(tid * RPT, RPT)],
                  degp.at[cid, pl.ds(tid * RPT, RPT)])


_deg_kernel = functools.partial(
    pl.kernel,
    out_type=jax.ShapeDtypeStruct((NC, NPAD, DW), jnp.float32),
    mesh=plsc.VectorSubcoreMesh(
        core_axis_name="c", subcore_axis_name="s", num_cores=NC,
        num_subcores=NS),
    compiler_params=pltpu.CompilerParams(use_tc_tiling_on_sc=False),
    scratch_types=[
        pltpu.VMEM((GT, G), jnp.int32),
        pltpu.VMEM((G, DW), jnp.float32),
        pltpu.VMEM((G, DW), jnp.float32),
        pltpu.VMEM_SHARED((NPAD, DW), jnp.float32),
    ],
)(_deg_body)


def _agg_body(hs, src_r, dst_r, p, sidx, didx, rows, zb, acc, width):
  cid = lax.axis_index("c")
  tid = lax.axis_index("s")
  wid = _wid()

  _zero_rows(zb, G, width)
  for k in range(RPT // G):
    pltpu.sync_copy(zb, acc.at[pl.ds(tid * RPT + k * G, G)])
  plsc.subcore_barrier()

  pltpu.sync_copy(src_r.at[pl.ds(wid * GT, GT)], sidx)
  pltpu.sync_copy(dst_r.at[pl.ds(wid * GT, GT)], didx)

  @pl.loop(0, GT)
  def _(j):
    pltpu.sync_copy(hs.at[sidx.at[j]], rows)
    pltpu.sync_copy(rows, acc.at[didx.at[j]], add=True)

  plsc.subcore_barrier()
  pltpu.sync_copy(acc.at[pl.ds(tid * RPT, RPT)],
                  p.at[cid, pl.ds(tid * RPT, RPT)])


def _make_agg(width):
  return functools.partial(
      pl.kernel,
      out_type=jax.ShapeDtypeStruct((NC, NPAD, width), jnp.float32),
      mesh=plsc.VectorSubcoreMesh(
          core_axis_name="c", subcore_axis_name="s", num_cores=NC,
          num_subcores=NS),
      compiler_params=pltpu.CompilerParams(use_tc_tiling_on_sc=False),
      scratch_types=[
          pltpu.VMEM((GT, G), jnp.int32),
          pltpu.VMEM((GT, G), jnp.int32),
          pltpu.VMEM((G, width), jnp.float32),
          pltpu.VMEM((G, width), jnp.float32),
          pltpu.VMEM_SHARED((NPAD, width), jnp.float32),
      ],
  )(functools.partial(_agg_body, width=width))


_agg64 = _make_agg(H)
_agg16 = _make_agg(C)


R = 1000


def _dinv_from(dp):
  deg = dp[0][:, 0:1] + dp[1][:, 0:1] + 1.0
  return lax.rsqrt(deg)


def _tc_a_body(x_ref, w1_ref, dp_ref, o_ref):
  dinv = _dinv_from(dp_ref)
  h = jnp.dot(x_ref[...], w1_ref[...], preferred_element_type=jnp.float32)
  o_ref[...] = h * dinv


def _tc_b_body(p_ref, h1s_ref, dp_ref, b1_ref, w2_ref, o_ref):
  dinv = _dinv_from(dp_ref)
  agg = p_ref[0] + p_ref[1] + h1s_ref[...]
  z = jnp.maximum(agg * dinv + b1_ref[...], 0.0)
  h2 = jnp.dot(z, w2_ref[...], preferred_element_type=jnp.float32)
  o_ref[...] = h2 * dinv


def _tc_c_body(q_ref, h2s_ref, dp_ref, b2_ref, o_ref):
  dinv = _dinv_from(dp_ref)
  logits = (q_ref[0] + q_ref[1] + h2s_ref[...]) * dinv + b2_ref[...]
  m = jnp.max(logits, axis=1, keepdims=True)
  e = jnp.exp(logits - m)
  s = jnp.sum(e, axis=1, keepdims=True)
  o_ref[...] = logits - m - jnp.log(s)


def _row_spec(width):
  return pl.BlockSpec((R, width), lambda i: (i, 0))


def _part_spec(width):
  return pl.BlockSpec((NC, R, width), lambda i: (0, i, 0))


def _full_spec(a, b):
  return pl.BlockSpec((a, b), lambda i: (0, 0))


_tc_a = pl.pallas_call(
    _tc_a_body,
    grid=(N // R,),
    in_specs=[_row_spec(D), _full_spec(D, H), _part_spec(DW)],
    out_specs=_row_spec(H),
    out_shape=jax.ShapeDtypeStruct((N, H), jnp.float32),
)

_tc_b = pl.pallas_call(
    _tc_b_body,
    grid=(N // R,),
    in_specs=[_part_spec(H), _row_spec(H), _part_spec(DW),
              _full_spec(1, H), _full_spec(H, C)],
    out_specs=_row_spec(C),
    out_shape=jax.ShapeDtypeStruct((N, C), jnp.float32),
)

_tc_c = pl.pallas_call(
    _tc_c_body,
    grid=(N // R,),
    in_specs=[_part_spec(C), _row_spec(C), _part_spec(DW), _full_spec(1, C)],
    out_specs=_row_spec(C),
    out_shape=jax.ShapeDtypeStruct((N, C), jnp.float32),
)


def kernel(x, edge_idx, W1, b1, W2, b2):
  pad = EPAD - E
  src = jnp.concatenate(
      [edge_idx[0], jnp.zeros((pad,), jnp.int32)]).reshape(NW * GT, G)
  dst = jnp.concatenate(
      [edge_idx[1], jnp.full((pad,), N, jnp.int32)]).reshape(NW * GT, G)

  degp = _deg_kernel(dst)
  h1s = _tc_a(x, W1, degp)
  p = _agg64(h1s, src, dst)
  h2s = _tc_b(p, h1s, degp, b1.reshape(1, H), W2)
  q = _agg16(h2s, src, dst)
  return _tc_c(q, h2s, degp, b2.reshape(1, C))

# --- scband reference (transcript-rebuilt; emitter-appended) ---
"""Pipeline reference for scband-gcn-14362370638206 (READ-ONLY COPY).

The authoritative reference and input builder live on the scoring server;
editing this copy changes nothing except your own understanding.
"""

import jax, jax.numpy as jnp
import numpy as np

N = 10000
E = 320000
D = 128
H = 64
C = 16


def setup_inputs(seed: int = 0) -> dict:
    key = jax.random.key(seed)
    k1, k2, k3, k4 = jax.random.split(key, 4)
    x = jax.random.normal(k1, (N, D), dtype=jnp.float32)
    edge_idx = jax.random.randint(k2, (2, E), 0, N, dtype=jnp.int32)
    # Glorot-initialized GCN layer weights (PyG GCNConv default init)
    W1 = jax.random.normal(k3, (D, H), dtype=jnp.float32) * np.sqrt(2.0 / (D + H))
    b1 = jnp.zeros((H,), dtype=jnp.float32)
    W2 = jax.random.normal(k4, (H, C), dtype=jnp.float32) * np.sqrt(2.0 / (H + C))
    b2 = jnp.zeros((C,), dtype=jnp.float32)
    return {"x": x, "edge_idx": edge_idx, "W1": W1, "b1": b1, "W2": W2, "b2": b2}


def _gcn_conv(x, W, b, src, dst, norm, n):
    h = x @ W
    msg = jnp.take(h, src, axis=0) * norm[:, None]
    out = jnp.zeros((n, h.shape[1]), dtype=h.dtype).at[dst].add(msg)
    return out + b


def reference(x, edge_idx, W1, b1, W2, b2):
    n = x.shape[0]
    # gcn_norm: add self-loops, symmetric deg^{-1/2} A deg^{-1/2}
    loop = jnp.arange(n, dtype=edge_idx.dtype)
    src = jnp.concatenate([edge_idx[0], loop])
    dst = jnp.concatenate([edge_idx[1], loop])
    w = jnp.ones(src.shape[0], dtype=jnp.float32)
    deg = jnp.zeros(n, dtype=jnp.float32).at[dst].add(w)
    dinv = jnp.where(deg > 0, jax.lax.rsqrt(jnp.maximum(deg, 1e-12)), 0.0)
    norm = dinv[src] * w * dinv[dst]
    # layer 1: GCNConv(128 -> 64) + ReLU (dropout p=0.0 / eval -> identity)
    h = _gcn_conv(x, W1, b1, src, dst, norm, n)
    h = jax.nn.relu(h)
    # layer 2: GCNConv(64 -> 16) + LogSoftmax
    out = _gcn_conv(h, W2, b2, src, dst, norm, n)
    return jax.nn.log_softmax(out, axis=1)

if __name__ == "__main__":
    import jax
    _d = setup_inputs()
    print(jax.jit(kernel)(*tuple(_d.values())))

</pallas_src>

<mosaic_0001>
#map = affine_map<(d0, d1) -> (0, 0)>
#map1 = affine_map<(d0, d1) -> (0, 0, 0)>
module attributes {stable_mosaic.version = 14 : i64} {
  func.func @_agg_body(%arg0: i32, %arg1: i32, %arg2: memref<10000x16xf32, #tpu.memory_space<hbm>>, %arg3: memref<2560x128xi32, #tpu.memory_space<hbm>>, %arg4: memref<2560x128xi32, #tpu.memory_space<hbm>>, %arg5: memref<2x10240x16xf32, #tpu.memory_space<hbm>>, %arg6: memref<80x128xi32, #tpu.memory_space<vmem>>, %arg7: memref<80x128xi32, #tpu.memory_space<vmem>>, %arg8: memref<128x16xf32, #tpu.memory_space<vmem>>, %arg9: memref<128x16xf32, #tpu.memory_space<vmem>>, %arg10: memref<10240x16xf32, #tpu.memory_space<vmem_shared>>) attributes {dimension_semantics = [#tpu.dimension_semantics<core_parallel>, #tpu.dimension_semantics<subcore_parallel>], iteration_bounds = array<i64: 2, 16>, scalar_prefetch = 0 : i64, scratch_operands = 5 : i64, tpu.core_type = #tpu.core_type<sc_vector_subcore>, window_params = [{transform_indices = #map}, {transform_indices = #map}, {transform_indices = #map}, {transform_indices = #map1}]} {
    %mul3A = arith.constant 16 : i32
    %mul3A_0 = arith.muli %arg0, %mul3A : i32
    %add3A = arith.addi %mul3A_0, %arg1 : i32
    %scan3A = arith.constant 0 : i32
    %scan3A_1 = arith.constant 128 : i32
    %scan3A_2 = arith.addi %scan3A, %scan3A_1 : i32
    %scan3A_3 = arith.constant 1 : i32
    scf.for %scan3A_39 = %scan3A to %scan3A_2 step %scan3A_3  : i32 {
      %mul3A_40 = arith.constant 1 : i32
      %mul3A_41 = arith.muli %scan3A_39, %mul3A_40 : i32
      %add3A_42 = arith.constant 0 : i32
      %add3A_43 = arith.addi %add3A_42, %mul3A_41 : i32
      %broadcast_in_dim3A = arith.constant 0.000000e+00 : f32
      %broadcast_in_dim3A_44 = vector.broadcast %broadcast_in_dim3A : f32 to vector<16xf32>
      %swap3A = arith.index_cast %add3A_43 : i32 to index
      %swap3A_45 = arith.constant 0 : index
      %swap3A_46 = tpu.vector_load %arg9[%swap3A, %swap3A_45] {strides = array<i32>} : memref<128x16xf32, #tpu.memory_space<vmem>>, vector<1x16xf32>,
      %swap3A_47 = vector.shape_cast %swap3A_46 : vector<1x16xf32> to vector<16xf32>
      %swap3A_48 = vector.shape_cast %broadcast_in_dim3A_44 : vector<16xf32> to vector<1x16xf32>
      tpu.vector_store %arg9[%swap3A, %swap3A_45], %swap3A_48 {strides = array<i32>} : memref<128x16xf32, #tpu.memory_space<vmem>>, vector<1x16xf32>,
    }
    %scan3A_4 = arith.constant 128 : i32
    %mul3A_5 = arith.constant 640 : i32
    %mul3A_6 = arith.muli %arg1, %mul3A_5 : i32
    %add3A_7 = arith.constant 0 : i32
    %add3A_8 = arith.addi %mul3A_6, %add3A_7 : i32
    "tpu.region"() ({
      %run_scoped3A = tpu.sem_alloc : memref<!tpu.dma_semaphore, #tpu.memory_space<semaphore_mem>>
      %dma_start3A = arith.constant 0 : i32
      %dma_start3A_39 = tpu.memref_slice %arg10[%add3A_8, %dma_start3A] : memref<10240x16xf32, #tpu.memory_space<vmem_shared>> -> memref<128x16xf32, #tpu.memory_space<vmem_shared>>
      %dma_start3A_40 = arith.constant 0 : i32
      %dma_start3A_41 = tpu.memref_slice %arg10[%add3A_8, %dma_start3A_40] : memref<10240x16xf32, #tpu.memory_space<vmem_shared>> -> memref<128x16xf32, #tpu.memory_space<vmem_shared>>
      tpu.enqueue_dma source(%arg9 : memref<128x16xf32, #tpu.memory_space<vmem>>) target(%dma_start3A_41 : memref<128x16xf32, #tpu.memory_space<vmem_shared>>) target_semaphore(%run_scoped3A : memref<!tpu.dma_semaphore, #tpu.memory_space<semaphore_mem>>)
      %dma_wait3A = arith.constant 0 : i32
      %dma_wait3A_42 = tpu.memref_slice %arg10[%add3A_8, %dma_wait3A] : memref<10240x16xf32, #tpu.memory_space<vmem_shared>> -> memref<128x16xf32, #tpu.memory_space<vmem_shared>>
      %dma_wait3A_43 = arith.constant 0 : i32
      %dma_wait3A_44 = tpu.memref_slice %arg10[%add3A_8, %dma_wait3A_43] : memref<10240x16xf32, #tpu.memory_space<vmem_shared>> -> memref<128x16xf32, #tpu.memory_space<vmem_shared>>
      tpu.wait_dma2 semaphore(%run_scoped3A : memref<!tpu.dma_semaphore, #tpu.memory_space<semaphore_mem>>) src(%arg9 : memref<128x16xf32, #tpu.memory_space<vmem>>) dst(%dma_wait3A_44 : memref<128x16xf32, #tpu.memory_space<vmem_shared>>)
      tpu.yield
    }) : () -> ()
    %mul3A_9 = arith.constant 640 : i32
    %mul3A_10 = arith.muli %arg1, %mul3A_9 : i32
    %add3A_11 = arith.constant 128 : i32
    %add3A_12 = arith.addi %mul3A_10, %add3A_11 : i32
    "tpu.region"() ({
      %run_scoped3A = tpu.sem_alloc : memref<!tpu.dma_semaphore, #tpu.memory_space<semaphore_mem>>
      %dma_start3A = arith.constant 0 : i32
      %dma_start3A_39 = tpu.memref_slice %arg10[%add3A_12, %dma_start3A] : memref<10240x16xf32, #tpu.memory_space<vmem_shared>> -> memref<128x16xf32, #tpu.memory_space<vmem_shared>>
      %dma_start3A_40 = arith.constant 0 : i32
      %dma_start3A_41 = tpu.memref_slice %arg10[%add3A_12, %dma_start3A_40] : memref<10240x16xf32, #tpu.memory_space<vmem_shared>> -> memref<128x16xf32, #tpu.memory_space<vmem_shared>>
      tpu.enqueue_dma source(%arg9 : memref<128x16xf32, #tpu.memory_space<vmem>>) target(%dma_start3A_41 : memref<128x16xf32, #tpu.memory_space<vmem_shared>>) target_semaphore(%run_scoped3A : memref<!tpu.dma_semaphore, #tpu.memory_space<semaphore_mem>>)
      %dma_wait3A = arith.constant 0 : i32
      %dma_wait3A_42 = tpu.memref_slice %arg10[%add3A_12, %dma_wait3A] : memref<10240x16xf32, #tpu.memory_space<vmem_shared>> -> memref<128x16xf32, #tpu.memory_space<vmem_shared>>
      %dma_wait3A_43 = arith.constant 0 : i32
      %dma_wait3A_44 = tpu.memref_slice %arg10[%add3A_12, %dma_wait3A_43] : memref<10240x16xf32, #tpu.memory_space<vmem_shared>> -> memref<128x16xf32, #tpu.memory_space<vmem_shared>>
      tpu.wait_dma2 semaphore(%run_scoped3A : memref<!tpu.dma_semaphore, #tpu.memory_space<semaphore_mem>>) src(%arg9 : memref<128x16xf32, #tpu.memory_space<vmem>>) dst(%dma_wait3A_44 : memref<128x16xf32, #tpu.memory_space<vmem_shared>>)
      tpu.yield
    }) : () -> ()
    %mul3A_13 = arith.constant 640 : i32
    %mul3A_14 = arith.muli %arg1, %mul3A_13 : i32
    %add3A_15 = arith.constant 256 : i32
    %add3A_16 = arith.addi %mul3A_14, %add3A_15 : i32
    "tpu.region"() ({
      %run_scoped3A = tpu.sem_alloc : memref<!tpu.dma_semaphore, #tpu.memory_space<semaphore_mem>>
      %dma_start3A = arith.constant 0 : i32
      %dma_start3A_39 = tpu.memref_slice %arg10[%add3A_16, %dma_start3A] : memref<10240x16xf32, #tpu.memory_space<vmem_shared>> -> memref<128x16xf32, #tpu.memory_space<vmem_shared>>
      %dma_start3A_40 = arith.constant 0 : i32
      %dma_start3A_41 = tpu.memref_slice %arg10[%add3A_16, %dma_start3A_40] : memref<10240x16xf32, #tpu.memory_space<vmem_shared>> -> memref<128x16xf32, #tpu.memory_space<vmem_shared>>
      tpu.enqueue_dma source(%arg9 : memref<128x16xf32, #tpu.memory_space<vmem>>) target(%dma_start3A_41 : memref<128x16xf32, #tpu.memory_space<vmem_shared>>) target_semaphore(%run_scoped3A : memref<!tpu.dma_semaphore, #tpu.memory_space<semaphore_mem>>)
      %dma_wait3A = arith.constant 0 : i32
      %dma_wait3A_42 = tpu.memref_slice %arg10[%add3A_16, %dma_wait3A] : memref<10240x16xf32, #tpu.memory_space<vmem_shared>> -> memref<128x16xf32, #tpu.memory_space<vmem_shared>>
      %dma_wait3A_43 = arith.constant 0 : i32
      %dma_wait3A_44 = tpu.memref_slice %arg10[%add3A_16, %dma_wait3A_43] : memref<10240x16xf32, #tpu.memory_space<vmem_shared>> -> memref<128x16xf32, #tpu.memory_space<vmem_shared>>
      tpu.wait_dma2 semaphore(%run_scoped3A : memref<!tpu.dma_semaphore, #tpu.memory_space<semaphore_mem>>) src(%arg9 : memref<128x16xf32, #tpu.memory_space<vmem>>) dst(%dma_wait3A_44 : memref<128x16xf32, #tpu.memory_space<vmem_shared>>)
      tpu.yield
    }) : () -> ()
    %mul3A_17 = arith.constant 640 : i32
    %mul3A_18 = arith.muli %arg1, %mul3A_17 : i32
    %add3A_19 = arith.constant 384 : i32
    %add3A_20 = arith.addi %mul3A_18, %add3A_19 : i32
    "tpu.region"() ({
      %run_scoped3A = tpu.sem_alloc : memref<!tpu.dma_semaphore, #tpu.memory_space<semaphore_mem>>
      %dma_start3A = arith.constant 0 : i32
      %dma_start3A_39 = tpu.memref_slice %arg10[%add3A_20, %dma_start3A] : memref<10240x16xf32, #tpu.memory_space<vmem_shared>> -> memref<128x16xf32, #tpu.memory_space<vmem_shared>>
      %dma_start3A_40 = arith.constant 0 : i32
      %dma_start3A_41 = tpu.memref_slice %arg10[%add3A_20, %dma_start3A_40] : memref<10240x16xf32, #tpu.memory_space<vmem_shared>> -> memref<128x16xf32, #tpu.memory_space<vmem_shared>>
      tpu.enqueue_dma source(%arg9 : memref<128x16xf32, #tpu.memory_space<vmem>>) target(%dma_start3A_41 : memref<128x16xf32, #tpu.memory_space<vmem_shared>>) target_semaphore(%run_scoped3A : memref<!tpu.dma_semaphore, #tpu.memory_space<semaphore_mem>>)
      %dma_wait3A = arith.constant 0 : i32
      %dma_wait3A_42 = tpu.memref_slice %arg10[%add3A_20, %dma_wait3A] : memref<10240x16xf32, #tpu.memory_space<vmem_shared>> -> memref<128x16xf32, #tpu.memory_space<vmem_shared>>
      %dma_wait3A_43 = arith.constant 0 : i32
      %dma_wait3A_44 = tpu.memref_slice %arg10[%add3A_20, %dma_wait3A_43] : memref<10240x16xf32, #tpu.memory_space<vmem_shared>> -> memref<128x16xf32, #tpu.memory_space<vmem_shared>>
      tpu.wait_dma2 semaphore(%run_scoped3A : memref<!tpu.dma_semaphore, #tpu.memory_space<semaphore_mem>>) src(%arg9 : memref<128x16xf32, #tpu.memory_space<vmem>>) dst(%dma_wait3A_44 : memref<128x16xf32, #tpu.memory_space<vmem_shared>>)
      tpu.yield
    }) : () -> ()
    %mul3A_21 = arith.constant 640 : i32
    %mul3A_22 = arith.muli %arg1, %mul3A_21 : i32
    %add3A_23 = arith.constant 512 : i32
    %add3A_24 = arith.addi %mul3A_22, %add3A_23 : i32
    "tpu.region"() ({
      %run_scoped3A = tpu.sem_alloc : memref<!tpu.dma_semaphore, #tpu.memory_space<semaphore_mem>>
      %dma_start3A = arith.constant 0 : i32
      %dma_start3A_39 = tpu.memref_slice %arg10[%add3A_24, %dma_start3A] : memref<10240x16xf32, #tpu.memory_space<vmem_shared>> -> memref<128x16xf32, #tpu.memory_space<vmem_shared>>
      %dma_start3A_40 = arith.constant 0 : i32
      %dma_start3A_41 = tpu.memref_slice %arg10[%add3A_24, %dma_start3A_40] : memref<10240x16xf32, #tpu.memory_space<vmem_shared>> -> memref<128x16xf32, #tpu.memory_space<vmem_shared>>
      tpu.enqueue_dma source(%arg9 : memref<128x16xf32, #tpu.memory_space<vmem>>) target(%dma_start3A_41 : memref<128x16xf32, #tpu.memory_space<vmem_shared>>) target_semaphore(%run_scoped3A : memref<!tpu.dma_semaphore, #tpu.memory_space<semaphore_mem>>)
      %dma_wait3A = arith.constant 0 : i32
      %dma_wait3A_42 = tpu.memref_slice %arg10[%add3A_24, %dma_wait3A] : memref<10240x16xf32, #tpu.memory_space<vmem_shared>> -> memref<128x16xf32, #tpu.memory_space<vmem_shared>>
      %dma_wait3A_43 = arith.constant 0 : i32
      %dma_wait3A_44 = tpu.memref_slice %arg10[%add3A_24, %dma_wait3A_43] : memref<10240x16xf32, #tpu.memory_space<vmem_shared>> -> memref<128x16xf32, #tpu.memory_space<vmem_shared>>
      tpu.wait_dma2 semaphore(%run_scoped3A : memref<!tpu.dma_semaphore, #tpu.memory_space<semaphore_mem>>) src(%arg9 : memref<128x16xf32, #tpu.memory_space<vmem>>) dst(%dma_wait3A_44 : memref<128x16xf32, #tpu.memory_space<vmem_shared>>)
      tpu.yield
    }) : () -> ()
    %barrier3A = arith.constant 0 : index
    tpu.barrier barrier_id(%barrier3A)
    %mul3A_25 = arith.constant 80 : i32
    %mul3A_26 = arith.muli %add3A, %mul3A_25 : i32
    "tpu.region"() ({
      %run_scoped3A = tpu.sem_alloc : memref<!tpu.dma_semaphore, #tpu.memory_space<semaphore_mem>>
      %dma_start3A = arith.constant 0 : i32
      %dma_start3A_39 = tpu.memref_slice %arg3[%mul3A_26, %dma_start3A] : memref<2560x128xi32, #tpu.memory_space<hbm>> -> memref<80x128xi32, #tpu.memory_space<hbm>>
      %dma_start3A_40 = arith.constant 0 : i32
      %dma_start3A_41 = tpu.memref_slice %arg3[%mul3A_26, %dma_start3A_40] : memref<2560x128xi32, #tpu.memory_space<hbm>> -> memref<80x128xi32, #tpu.memory_space<hbm>>
      tpu.enqueue_dma source(%dma_start3A_41 : memref<80x128xi32, #tpu.memory_space<hbm>>) target(%arg6 : memref<80x128xi32, #tpu.memory_space<vmem>>) target_semaphore(%run_scoped3A : memref<!tpu.dma_semaphore, #tpu.memory_space<semaphore_mem>>)
      %dma_wait3A = arith.constant 0 : i32
      %dma_wait3A_42 = tpu.memref_slice %arg3[%mul3A_26, %dma_wait3A] : memref<2560x128xi32, #tpu.memory_space<hbm>> -> memref<80x128xi32, #tpu.memory_space<hbm>>
      %dma_wait3A_43 = arith.constant 0 : i32
      %dma_wait3A_44 = tpu.memref_slice %arg3[%mul3A_26, %dma_wait3A_43] : memref<2560x128xi32, #tpu.memory_space<hbm>> -> memref<80x128xi32, #tpu.memory_space<hbm>>
      tpu.wait_dma2 semaphore(%run_scoped3A : memref<!tpu.dma_semaphore, #tpu.memory_space<semaphore_mem>>) src(%dma_wait3A_44 : memref<80x128xi32, #tpu.memory_space<hbm>>) dst(%arg6 : memref<80x128xi32, #tpu.memory_space<vmem>>)
      tpu.yield
    }) : () -> ()
    %mul3A_27 = arith.constant 80 : i32
    %mul3A_28 = arith.muli %add3A, %mul3A_27 : i32
    "tpu.region"() ({
      %run_scoped3A = tpu.sem_alloc : memref<!tpu.dma_semaphore, #tpu.memory_space<semaphore_mem>>
      %dma_start3A = arith.constant 0 : i32
      %dma_start3A_39 = tpu.memref_slice %arg4[%mul3A_28, %dma_start3A] : memref<2560x128xi32, #tpu.memory_space<hbm>> -> memref<80x128xi32, #tpu.memory_space<hbm>>
      %dma_start3A_40 = arith.constant 0 : i32
      %dma_start3A_41 = tpu.memref_slice %arg4[%mul3A_28, %dma_start3A_40] : memref<2560x128xi32, #tpu.memory_space<hbm>> -> memref<80x128xi32, #tpu.memory_space<hbm>>
      tpu.enqueue_dma source(%dma_start3A_41 : memref<80x128xi32, #tpu.memory_space<hbm>>) target(%arg7 : memref<80x128xi32, #tpu.memory_space<vmem>>) target_semaphore(%run_scoped3A : memref<!tpu.dma_semaphore, #tpu.memory_space<semaphore_mem>>)
      %dma_wait3A = arith.constant 0 : i32
      %dma_wait3A_42 = tpu.memref_slice %arg4[%mul3A_28, %dma_wait3A] : memref<2560x128xi32, #tpu.memory_space<hbm>> -> memref<80x128xi32, #tpu.memory_space<hbm>>
      %dma_wait3A_43 = arith.constant 0 : i32
      %dma_wait3A_44 = tpu.memref_slice %arg4[%mul3A_28, %dma_wait3A_43] : memref<2560x128xi32, #tpu.memory_space<hbm>> -> memref<80x128xi32, #tpu.memory_space<hbm>>
      tpu.wait_dma2 semaphore(%run_scoped3A : memref<!tpu.dma_semaphore, #tpu.memory_space<semaphore_mem>>) src(%dma_wait3A_44 : memref<80x128xi32, #tpu.memory_space<hbm>>) dst(%arg7 : memref<80x128xi32, #tpu.memory_space<vmem>>)
      tpu.yield
    }) : () -> ()
    %scan3A_29 = arith.constant 0 : i32
    %scan3A_30 = arith.constant 80 : i32
    %scan3A_31 = arith.addi %scan3A_29, %scan3A_30 : i32
    %scan3A_32 = arith.constant 1 : i32
    scf.for %scan3A_39 = %scan3A_29 to %scan3A_31 step %scan3A_32  : i32 {
      %mul3A_40 = arith.constant 1 : i32
      %mul3A_41 = arith.muli %scan3A_39, %mul3A_40 : i32
      %add3A_42 = arith.constant 0 : i32
      %add3A_43 = arith.addi %add3A_42, %mul3A_41 : i32
      "tpu.region"() ({
        %run_scoped3A = tpu.sem_alloc : memref<!tpu.dma_semaphore, #tpu.memory_space<semaphore_mem>>
        %dma_start3A = arith.constant 0 : i32
        %dma_start3A_44 = tpu.memref_slice %arg6[%add3A_43, %dma_start3A] : memref<80x128xi32, #tpu.memory_space<vmem>> -> memref<1x128xi32, #tpu.memory_space<vmem>>
        %dma_start3A_45 = tpu.memref_squeeze %dma_start3A_44 : memref<1x128xi32, #tpu.memory_space<vmem>> -> memref<128xi32, #tpu.memory_space<vmem>>
        %dma_start3A_46 = arith.constant 0 : i32
        %dma_start3A_47 = arith.constant 0 : i32
        %dma_start3A_48 = tpu.memref_slice %arg2[%dma_start3A_46, %dma_start3A_47] : memref<10000x16xf32, #tpu.memory_space<hbm>> -> memref<10000x16xf32, #tpu.memory_space<hbm>>
        tpu.enqueue_indirect_dma source(%dma_start3A_48 : memref<10000x16xf32, #tpu.memory_space<hbm>>) target(%arg8 : memref<128x16xf32, #tpu.memory_space<vmem>>) offsets(%dma_start3A_45 : memref<128xi32, #tpu.memory_space<vmem>>) semaphore(%run_scoped3A : memref<!tpu.dma_semaphore, #tpu.memory_space<semaphore_mem>>)
        %dma_wait3A = arith.constant 0 : i32
        %dma_wait3A_49 = tpu.memref_slice %arg6[%add3A_43, %dma_wait3A] : memref<80x128xi32, #tpu.memory_space<vmem>> -> memref<1x128xi32, #tpu.memory_space<vmem>>
        %dma_wait3A_50 = tpu.memref_squeeze %dma_wait3A_49 : memref<1x128xi32, #tpu.memory_space<vmem>> -> memref<128xi32, #tpu.memory_space<vmem>>
        %dma_wait3A_51 = arith.constant 0 : i32
        %dma_wait3A_52 = arith.constant 0 : i32
        %dma_wait3A_53 = tpu.memref_slice %arg2[%dma_wait3A_51, %dma_wait3A_52] : memref<10000x16xf32, #tpu.memory_space<hbm>> -> memref<10000x16xf32, #tpu.memory_space<hbm>>
        tpu.wait_indirect_dma semaphore(%run_scoped3A : memref<!tpu.dma_semaphore, #tpu.memory_space<semaphore_mem>>) src(%dma_wait3A_53 : memref<10000x16xf32, #tpu.memory_space<hbm>>) dst(%arg8 : memref<128x16xf32, #tpu.memory_space<vmem>>)
        tpu.yield
      }) : () -> ()
      "tpu.region"() ({
        %run_scoped3A = tpu.sem_alloc : memref<!tpu.dma_semaphore, #tpu.memory_space<semaphore_mem>>
        %dma_start3A = arith.constant 0 : i32
        %dma_start3A_44 = tpu.memref_slice %arg7[%add3A_43, %dma_start3A] : memref<80x128xi32, #tpu.memory_space<vmem>> -> memref<1x128xi32, #tpu.memory_space<vmem>>
        %dma_start3A_45 = tpu.memref_squeeze %dma_start3A_44 : memref<1x128xi32, #tpu.memory_space<vmem>> -> memref<128xi32, #tpu.memory_space<vmem>>
        %dma_start3A_46 = arith.constant 0 : i32
        %dma_start3A_47 = arith.constant 0 : i32
        %dma_start3A_48 = tpu.memref_slice %arg10[%dma_start3A_46, %dma_start3A_47] : memref<10240x16xf32, #tpu.memory_space<vmem_shared>> -> memref<10240x16xf32, #tpu.memory_space<vmem_shared>>
        tpu.enqueue_indirect_dma source(%arg8 : memref<128x16xf32, #tpu.memory_space<vmem>>) target(%dma_start3A_48 : memref<10240x16xf32, #tpu.memory_space<vmem_shared>>) offsets(%dma_start3A_45 : memref<128xi32, #tpu.memory_space<vmem>>) semaphore(%run_scoped3A : memref<!tpu.dma_semaphore, #tpu.memory_space<semaphore_mem>>) {add = true}
        %dma_wait3A = arith.constant 0 : i32
        %dma_wait3A_49 = tpu.memref_slice %arg7[%add3A_43, %dma_wait3A] : memref<80x128xi32, #tpu.memory_space<vmem>> -> memref<1x128xi32, #tpu.memory_space<vmem>>
        %dma_wait3A_50 = tpu.memref_squeeze %dma_wait3A_49 : memref<1x128xi32, #tpu.memory_space<vmem>> -> memref<128xi32, #tpu.memory_space<vmem>>
        %dma_wait3A_51 = arith.constant 0 : i32
        %dma_wait3A_52 = arith.constant 0 : i32
        %dma_wait3A_53 = tpu.memref_slice %arg10[%dma_wait3A_51, %dma_wait3A_52] : memref<10240x16xf32, #tpu.memory_space<vmem_shared>> -> memref<10240x16xf32, #tpu.memory_space<vmem_shared>>
        tpu.wait_indirect_dma semaphore(%run_scoped3A : memref<!tpu.dma_semaphore, #tpu.memory_space<semaphore_mem>>) src(%arg8 : memref<128x16xf32, #tpu.memory_space<vmem>>) dst(%dma_wait3A_53 : memref<10240x16xf32, #tpu.memory_space<vmem_shared>>)
        tpu.yield
      }) : () -> ()
    }
    %scan3A_33 = arith.constant 80 : i32
    %barrier3A_34 = arith.constant 0 : index
    tpu.barrier barrier_id(%barrier3A_34)
    %mul3A_35 = arith.constant 640 : i32
    %mul3A_36 = arith.muli %arg1, %mul3A_35 : i32
    %mul3A_37 = arith.constant 640 : i32
    %mul3A_38 = arith.muli %arg1, %mul3A_37 : i32
    "tpu.region"() ({
      %run_scoped3A = tpu.sem_alloc : memref<!tpu.dma_semaphore, #tpu.memory_space<semaphore_mem>>
      %dma_start3A = arith.constant 0 : i32
      %dma_start3A_39 = tpu.memref_slice %arg5[%arg0, %mul3A_38, %dma_start3A] : memref<2x10240x16xf32, #tpu.memory_space<hbm>> -> memref<1x640x16xf32, #tpu.memory_space<hbm>>
      %dma_start3A_40 = tpu.memref_squeeze %dma_start3A_39 : memref<1x640x16xf32, #tpu.memory_space<hbm>> -> memref<640x16xf32, #tpu.memory_space<hbm>>
      %dma_start3A_41 = arith.constant 0 : i32
      %dma_start3A_42 = tpu.memref_slice %arg10[%mul3A_36, %dma_start3A_41] : memref<10240x16xf32, #tpu.memory_space<vmem_shared>> -> memref<640x16xf32, #tpu.memory_space<vmem_shared>>
      tpu.enqueue_dma source(%dma_start3A_42 : memref<640x16xf32, #tpu.memory_space<vmem_shared>>) target(%dma_start3A_40 : memref<640x16xf32, #tpu.memory_space<hbm>>) target_semaphore(%run_scoped3A : memref<!tpu.dma_semaphore, #tpu.memory_space<semaphore_mem>>)
      %dma_wait3A = arith.constant 0 : i32
      %dma_wait3A_43 = tpu.memref_slice %arg5[%arg0, %mul3A_38, %dma_wait3A] : memref<2x10240x16xf32, #tpu.memory_space<hbm>> -> memref<1x640x16xf32, #tpu.memory_space<hbm>>
      %dma_wait3A_44 = tpu.memref_squeeze %dma_wait3A_43 : memref<1x640x16xf32, #tpu.memory_space<hbm>> -> memref<640x16xf32, #tpu.memory_space<hbm>>
      %dma_wait3A_45 = arith.constant 0 : i32
      %dma_wait3A_46 = tpu.memref_slice %arg10[%mul3A_36, %dma_wait3A_45] : memref<10240x16xf32, #tpu.memory_space<vmem_shared>> -> memref<640x16xf32, #tpu.memory_space<vmem_shared>>
      tpu.wait_dma2 semaphore(%run_scoped3A : memref<!tpu.dma_semaphore, #tpu.memory_space<semaphore_mem>>) src(%dma_wait3A_46 : memref<640x16xf32, #tpu.memory_space<vmem_shared>>) dst(%dma_wait3A_44 : memref<640x16xf32, #tpu.memory_space<hbm>>)
      tpu.yield
    }) : () -> ()
    return
  }
}

#map = affine_map<(d0, d1) -> (0, 0)>
#map1 = affine_map<(d0, d1) -> (0, 0, 0)>
module attributes {stable_mosaic.version = 14 : i64} {
  func.func @_agg_body(%arg0: i32, %arg1: i32, %arg2: memref<10000x64xf32, #tpu.memory_space<hbm>>, %arg3: memref<2560x128xi32, #tpu.memory_space<hbm>>, %arg4: memref<2560x128xi32, #tpu.memory_space<hbm>>, %arg5: memref<2x10240x64xf32, #tpu.memory_space<hbm>>, %arg6: memref<80x128xi32, #tpu.memory_space<vmem>>, %arg7: memref<80x128xi32, #tpu.memory_space<vmem>>, %arg8: memref<128x64xf32, #tpu.memory_space<vmem>>, %arg9: memref<128x64xf32, #tpu.memory_space<vmem>>, %arg10: memref<10240x64xf32, #tpu.memory_space<vmem_shared>>) attributes {dimension_semantics = [#tpu.dimension_semantics<core_parallel>, #tpu.dimension_semantics<subcore_parallel>], iteration_bounds = array<i64: 2, 16>, scalar_prefetch = 0 : i64, scratch_operands = 5 : i64, tpu.core_type = #tpu.core_type<sc_vector_subcore>, window_params = [{transform_indices = #map}, {transform_indices = #map}, {transform_indices = #map}, {transform_indices = #map1}]} {
    %mul3A = arith.constant 16 : i32
    %mul3A_0 = arith.muli %arg0, %mul3A : i32
    %add3A = arith.addi %mul3A_0, %arg1 : i32
    %scan3A = arith.constant 0 : i32
    %scan3A_1 = arith.constant 128 : i32
    %scan3A_2 = arith.addi %scan3A, %scan3A_1 : i32
    %scan3A_3 = arith.constant 1 : i32
    scf.for %scan3A_39 = %scan3A to %scan3A_2 step %scan3A_3  : i32 {
      %mul3A_40 = arith.constant 1 : i32
      %mul3A_41 = arith.muli %scan3A_39, %mul3A_40 : i32
      %add3A_42 = arith.constant 0 : i32
      %add3A_43 = arith.addi %add3A_42, %mul3A_41 : i32
      %broadcast_in_dim3A = arith.constant 0.000000e+00 : f32
      %broadcast_in_dim3A_44 = vector.broadcast %broadcast_in_dim3A : f32 to vector<16xf32>
      %swap3A = arith.index_cast %add3A_43 : i32 to index
      %swap3A_45 = arith.constant 0 : index
      %swap3A_46 = tpu.vector_load %arg9[%swap3A, %swap3A_45] {strides = array<i32>} : memref<128x64xf32, #tpu.memory_space<vmem>>, vector<1x16xf32>,
      %swap3A_47 = vector.shape_cast %swap3A_46 : vector<1x16xf32> to vector<16xf32>
      %swap3A_48 = vector.shape_cast %broadcast_in_dim3A_44 : vector<16xf32> to vector<1x16xf32>
      tpu.vector_store %arg9[%swap3A, %swap3A_45], %swap3A_48 {strides = array<i32>} : memref<128x64xf32, #tpu.memory_space<vmem>>, vector<1x16xf32>,
      %broadcast_in_dim3A_49 = arith.constant 0.000000e+00 : f32
      %broadcast_in_dim3A_50 = vector.broadcast %broadcast_in_dim3A_49 : f32 to vector<16xf32>
      %swap3A_51 = arith.index_cast %add3A_43 : i32 to index
      %swap3A_52 = arith.constant 16 : index
      %swap3A_53 = tpu.vector_load %arg9[%swap3A_51, %swap3A_52] {strides = array<i32>} : memref<128x64xf32, #tpu.memory_space<vmem>>, vector<1x16xf32>,
      %swap3A_54 = vector.shape_cast %swap3A_53 : vector<1x16xf32> to vector<16xf32>
      %swap3A_55 = vector.shape_cast %broadcast_in_dim3A_50 : vector<16xf32> to vector<1x16xf32>
      tpu.vector_store %arg9[%swap3A_51, %swap3A_52], %swap3A_55 {strides = array<i32>} : memref<128x64xf32, #tpu.memory_space<vmem>>, vector<1x16xf32>,
      %broadcast_in_dim3A_56 = arith.constant 0.000000e+00 : f32
      %broadcast_in_dim3A_57 = vector.broadcast %broadcast_in_dim3A_56 : f32 to vector<16xf32>
      %swap3A_58 = arith.index_cast %add3A_43 : i32 to index
      %swap3A_59 = arith.constant 32 : index
      %swap3A_60 = tpu.vector_load %arg9[%swap3A_58, %swap3A_59] {strides = array<i32>} : memref<128x64xf32, #tpu.memory_space<vmem>>, vector<1x16xf32>,
      %swap3A_61 = vector.shape_cast %swap3A_60 : vector<1x16xf32> to vector<16xf32>
      %swap3A_62 = vector.shape_cast %broadcast_in_dim3A_57 : vector<16xf32> to vector<1x16xf32>
      tpu.vector_store %arg9[%swap3A_58, %swap3A_59], %swap3A_62 {strides = array<i32>} : memref<128x64xf32, #tpu.memory_space<vmem>>, vector<1x16xf32>,
      %broadcast_in_dim3A_63 = arith.constant 0.000000e+00 : f32
      %broadcast_in_dim3A_64 = vector.broadcast %broadcast_in_dim3A_63 : f32 to vector<16xf32>
      %swap3A_65 = arith.index_cast %add3A_43 : i32 to index
      %swap3A_66 = arith.constant 48 : index
      %swap3A_67 = tpu.vector_load %arg9[%swap3A_65, %swap3A_66] {strides = array<i32>} : memref<128x64xf32, #tpu.memory_space<vmem>>, vector<1x16xf32>,
      %swap3A_68 = vector.shape_cast %swap3A_67 : vector<1x16xf32> to vector<16xf32>
      %swap3A_69 = vector.shape_cast %broadcast_in_dim3A_64 : vector<16xf32> to vector<1x16xf32>
      tpu.vector_store %arg9[%swap3A_65, %swap3A_66], %swap3A_69 {strides = array<i32>} : memref<128x64xf32, #tpu.memory_space<vmem>>, vector<1x16xf32>,
    }
    %scan3A_4 = arith.constant 128 : i32
    %mul3A_5 = arith.constant 640 : i32
    %mul3A_6 = arith.muli %arg1, %mul3A_5 : i32
    %add3A_7 = arith.constant 0 : i32
    %add3A_8 = arith.addi %mul3A_6, %add3A_7 : i32
    "tpu.region"() ({
      %run_scoped3A = tpu.sem_alloc : memref<!tpu.dma_semaphore, #tpu.memory_space<semaphore_mem>>
      %dma_start3A = arith.constant 0 : i32
      %dma_start3A_39 = tpu.memref_slice %arg10[%add3A_8, %dma_start3A] : memref<10240x64xf32, #tpu.memory_space<vmem_shared>> -> memref<128x64xf32, #tpu.memory_space<vmem_shared>>
      %dma_start3A_40 = arith.constant 0 : i32
      %dma_start3A_41 = tpu.memref_slice %arg10[%add3A_8, %dma_start3A_40] : memref<10240x64xf32, #tpu.memory_space<vmem_shared>> -> memref<128x64xf32, #tpu.memory_space<vmem_shared>>
      tpu.enqueue_dma source(%arg9 : memref<128x64xf32, #tpu.memory_space<vmem>>) target(%dma_start3A_41 : memref<128x64xf32, #tpu.memory_space<vmem_shared>>) target_semaphore(%run_scoped3A : memref<!tpu.dma_semaphore, #tpu.memory_space<semaphore_mem>>)
      %dma_wait3A = arith.constant 0 : i32
      %dma_wait3A_42 = tpu.memref_slice %arg10[%add3A_8, %dma_wait3A] : memref<10240x64xf32, #tpu.memory_space<vmem_shared>> -> memref<128x64xf32, #tpu.memory_space<vmem_shared>>
      %dma_wait3A_43 = arith.constant 0 : i32
      %dma_wait3A_44 = tpu.memref_slice %arg10[%add3A_8, %dma_wait3A_43] : memref<10240x64xf32, #tpu.memory_space<vmem_shared>> -> memref<128x64xf32, #tpu.memory_space<vmem_shared>>
      tpu.wait_dma2 semaphore(%run_scoped3A : memref<!tpu.dma_semaphore, #tpu.memory_space<semaphore_mem>>) src(%arg9 : memref<128x64xf32, #tpu.memory_space<vmem>>) dst(%dma_wait3A_44 : memref<128x64xf32, #tpu.memory_space<vmem_shared>>)
      tpu.yield
    }) : () -> ()
    %mul3A_9 = arith.constant 640 : i32
    %mul3A_10 = arith.muli %arg1, %mul3A_9 : i32
    %add3A_11 = arith.constant 128 : i32
    %add3A_12 = arith.addi %mul3A_10, %add3A_11 : i32
    "tpu.region"() ({
      %run_scoped3A = tpu.sem_alloc : memref<!tpu.dma_semaphore, #tpu.memory_space<semaphore_mem>>
      %dma_start3A = arith.constant 0 : i32
      %dma_start3A_39 = tpu.memref_slice %arg10[%add3A_12, %dma_start3A] : memref<10240x64xf32, #tpu.memory_space<vmem_shared>> -> memref<128x64xf32, #tpu.memory_space<vmem_shared>>
      %dma_start3A_40 = arith.constant 0 : i32
      %dma_start3A_41 = tpu.memref_slice %arg10[%add3A_12, %dma_start3A_40] : memref<10240x64xf32, #tpu.memory_space<vmem_shared>> -> memref<128x64xf32, #tpu.memory_space<vmem_shared>>
      tpu.enqueue_dma source(%arg9 : memref<128x64xf32, #tpu.memory_space<vmem>>) target(%dma_start3A_41 : memref<128x64xf32, #tpu.memory_space<vmem_shared>>) target_semaphore(%run_scoped3A : memref<!tpu.dma_semaphore, #tpu.memory_space<semaphore_mem>>)
      %dma_wait3A = arith.constant 0 : i32
      %dma_wait3A_42 = tpu.memref_slice %arg10[%add3A_12, %dma_wait3A] : memref<10240x64xf32, #tpu.memory_space<vmem_shared>> -> memref<128x64xf32, #tpu.memory_space<vmem_shared>>
      %dma_wait3A_43 = arith.constant 0 : i32
      %dma_wait3A_44 = tpu.memref_slice %arg10[%add3A_12, %dma_wait3A_43] : memref<10240x64xf32, #tpu.memory_space<vmem_shared>> -> memref<128x64xf32, #tpu.memory_space<vmem_shared>>
      tpu.wait_dma2 semaphore(%run_scoped3A : memref<!tpu.dma_semaphore, #tpu.memory_space<semaphore_mem>>) src(%arg9 : memref<128x64xf32, #tpu.memory_space<vmem>>) dst(%dma_wait3A_44 : memref<128x64xf32, #tpu.memory_space<vmem_shared>>)
      tpu.yield
    }) : () -> ()
    %mul3A_13 = arith.constant 640 : i32
    %mul3A_14 = arith.muli %arg1, %mul3A_13 : i32
    %add3A_15 = arith.constant 256 : i32
    %add3A_16 = arith.addi %mul3A_14, %add3A_15 : i32
    "tpu.region"() ({
      %run_scoped3A = tpu.sem_alloc : memref<!tpu.dma_semaphore, #tpu.memory_space<semaphore_mem>>
      %dma_start3A = arith.constant 0 : i32
      %dma_start3A_39 = tpu.memref_slice %arg10[%add3A_16, %dma_start3A] : memref<10240x64xf32, #tpu.memory_space<vmem_shared>> -> memref<128x64xf32, #tpu.memory_space<vmem_shared>>
      %dma_start3A_40 = arith.constant 0 : i32
      %dma_start3A_41 = tpu.memref_slice %arg10[%add3A_16, %dma_start3A_40] : memref<10240x64xf32, #tpu.memory_space<vmem_shared>> -> memref<128x64xf32, #tpu.memory_space<vmem_shared>>
      tpu.enqueue_dma source(%arg9 : memref<128x64xf32, #tpu.memory_space<vmem>>) target(%dma_start3A_41 : memref<128x64xf32, #tpu.memory_space<vmem_shared>>) target_semaphore(%run_scoped3A : memref<!tpu.dma_semaphore, #tpu.memory_space<semaphore_mem>>)
      %dma_wait3A = arith.constant 0 : i32
      %dma_wait3A_42 = tpu.memref_slice %arg10[%add3A_16, %dma_wait3A] : memref<10240x64xf32, #tpu.memory_space<vmem_shared>> -> memref<128x64xf32, #tpu.memory_space<vmem_shared>>
      %dma_wait3A_43 = arith.constant 0 : i32
      %dma_wait3A_44 = tpu.memref_slice %arg10[%add3A_16, %dma_wait3A_43] : memref<10240x64xf32, #tpu.memory_space<vmem_shared>> -> memref<128x64xf32, #tpu.memory_space<vmem_shared>>
      tpu.wait_dma2 semaphore(%run_scoped3A : memref<!tpu.dma_semaphore, #tpu.memory_space<semaphore_mem>>) src(%arg9 : memref<128x64xf32, #tpu.memory_space<vmem>>) dst(%dma_wait3A_44 : memref<128x64xf32, #tpu.memory_space<vmem_shared>>)
      tpu.yield
    }) : () -> ()
    %mul3A_17 = arith.constant 640 : i32
    %mul3A_18 = arith.muli %arg1, %mul3A_17 : i32
    %add3A_19 = arith.constant 384 : i32
    %add3A_20 = arith.addi %mul3A_18, %add3A_19 : i32
    "tpu.region"() ({
      %run_scoped3A = tpu.sem_alloc : memref<!tpu.dma_semaphore, #tpu.memory_space<semaphore_mem>>
      %dma_start3A = arith.constant 0 : i32
      %dma_start3A_39 = tpu.memref_slice %arg10[%add3A_20, %dma_start3A] : memref<10240x64xf32, #tpu.memory_space<vmem_shared>> -> memref<128x64xf32, #tpu.memory_space<vmem_shared>>
      %dma_start3A_40 = arith.constant 0 : i32
      %dma_start3A_41 = tpu.memref_slice %arg10[%add3A_20, %dma_start3A_40] : memref<10240x64xf32, #tpu.memory_space<vmem_shared>> -> memref<128x64xf32, #tpu.memory_space<vmem_shared>>
      tpu.enqueue_dma source(%arg9 : memref<128x64xf32, #tpu.memory_space<vmem>>) target(%dma_start3A_41 : memref<128x64xf32, #tpu.memory_space<vmem_shared>>) target_semaphore(%run_scoped3A : memref<!tpu.dma_semaphore, #tpu.memory_space<semaphore_mem>>)
      %dma_wait3A = arith.constant 0 : i32
      %dma_wait3A_42 = tpu.memref_slice %arg10[%add3A_20, %dma_wait3A] : memref<10240x64xf32, #tpu.memory_space<vmem_shared>> -> memref<128x64xf32, #tpu.memory_space<vmem_shared>>
      %dma_wait3A_43 = arith.constant 0 : i32
      %dma_wait3A_44 = tpu.memref_slice %arg10[%add3A_20, %dma_wait3A_43] : memref<10240x64xf32, #tpu.memory_space<vmem_shared>> -> memref<128x64xf32, #tpu.memory_space<vmem_shared>>
      tpu.wait_dma2 semaphore(%run_scoped3A : memref<!tpu.dma_semaphore, #tpu.memory_space<semaphore_mem>>) src(%arg9 : memref<128x64xf32, #tpu.memory_space<vmem>>) dst(%dma_wait3A_44 : memref<128x64xf32, #tpu.memory_space<vmem_shared>>)
      tpu.yield
    }) : () -> ()
    %mul3A_21 = arith.constant 640 : i32
    %mul3A_22 = arith.muli %arg1, %mul3A_21 : i32
    %add3A_23 = arith.constant 512 : i32
    %add3A_24 = arith.addi %mul3A_22, %add3A_23 : i32
    "tpu.region"() ({
      %run_scoped3A = tpu.sem_alloc : memref<!tpu.dma_semaphore, #tpu.memory_space<semaphore_mem>>
      %dma_start3A = arith.constant 0 : i32
      %dma_start3A_39 = tpu.memref_slice %arg10[%add3A_24, %dma_start3A] : memref<10240x64xf32, #tpu.memory_space<vmem_shared>> -> memref<128x64xf32, #tpu.memory_space<vmem_shared>>
      %dma_start3A_40 = arith.constant 0 : i32
      %dma_start3A_41 = tpu.memref_slice %arg10[%add3A_24, %dma_start3A_40] : memref<10240x64xf32, #tpu.memory_space<vmem_shared>> -> memref<128x64xf32, #tpu.memory_space<vmem_shared>>
      tpu.enqueue_dma source(%arg9 : memref<128x64xf32, #tpu.memory_space<vmem>>) target(%dma_start3A_41 : memref<128x64xf32, #tpu.memory_space<vmem_shared>>) target_semaphore(%run_scoped3A : memref<!tpu.dma_semaphore, #tpu.memory_space<semaphore_mem>>)
      %dma_wait3A = arith.constant 0 : i32
      %dma_wait3A_42 = tpu.memref_slice %arg10[%add3A_24, %dma_wait3A] : memref<10240x64xf32, #tpu.memory_space<vmem_shared>> -> memref<128x64xf32, #tpu.memory_space<vmem_shared>>
      %dma_wait3A_43 = arith.constant 0 : i32
      %dma_wait3A_44 = tpu.memref_slice %arg10[%add3A_24, %dma_wait3A_43] : memref<10240x64xf32, #tpu.memory_space<vmem_shared>> -> memref<128x64xf32, #tpu.memory_space<vmem_shared>>
      tpu.wait_dma2 semaphore(%run_scoped3A : memref<!tpu.dma_semaphore, #tpu.memory_space<semaphore_mem>>) src(%arg9 : memref<128x64xf32, #tpu.memory_space<vmem>>) dst(%dma_wait3A_44 : memref<128x64xf32, #tpu.memory_space<vmem_shared>>)
      tpu.yield
    }) : () -> ()
    %barrier3A = arith.constant 0 : index
    tpu.barrier barrier_id(%barrier3A)
    %mul3A_25 = arith.constant 80 : i32
    %mul3A_26 = arith.muli %add3A, %mul3A_25 : i32
    "tpu.region"() ({
      %run_scoped3A = tpu.sem_alloc : memref<!tpu.dma_semaphore, #tpu.memory_space<semaphore_mem>>
      %dma_start3A = arith.constant 0 : i32
      %dma_start3A_39 = tpu.memref_slice %arg3[%mul3A_26, %dma_start3A] : memref<2560x128xi32, #tpu.memory_space<hbm>> -> memref<80x128xi32, #tpu.memory_space<hbm>>
      %dma_start3A_40 = arith.constant 0 : i32
      %dma_start3A_41 = tpu.memref_slice %arg3[%mul3A_26, %dma_start3A_40] : memref<2560x128xi32, #tpu.memory_space<hbm>> -> memref<80x128xi32, #tpu.memory_space<hbm>>
      tpu.enqueue_dma source(%dma_start3A_41 : memref<80x128xi32, #tpu.memory_space<hbm>>) target(%arg6 : memref<80x128xi32, #tpu.memory_space<vmem>>) target_semaphore(%run_scoped3A : memref<!tpu.dma_semaphore, #tpu.memory_space<semaphore_mem>>)
      %dma_wait3A = arith.constant 0 : i32
      %dma_wait3A_42 = tpu.memref_slice %arg3[%mul3A_26, %dma_wait3A] : memref<2560x128xi32, #tpu.memory_space<hbm>> -> memref<80x128xi32, #tpu.memory_space<hbm>>
      %dma_wait3A_43 = arith.constant 0 : i32
      %dma_wait3A_44 = tpu.memref_slice %arg3[%mul3A_26, %dma_wait3A_43] : memref<2560x128xi32, #tpu.memory_space<hbm>> -> memref<80x128xi32, #tpu.memory_space<hbm>>
      tpu.wait_dma2 semaphore(%run_scoped3A : memref<!tpu.dma_semaphore, #tpu.memory_space<semaphore_mem>>) src(%dma_wait3A_44 : memref<80x128xi32, #tpu.memory_space<hbm>>) dst(%arg6 : memref<80x128xi32, #tpu.memory_space<vmem>>)
      tpu.yield
    }) : () -> ()
    %mul3A_27 = arith.constant 80 : i32
    %mul3A_28 = arith.muli %add3A, %mul3A_27 : i32
    "tpu.region"() ({
      %run_scoped3A = tpu.sem_alloc : memref<!tpu.dma_semaphore, #tpu.memory_space<semaphore_mem>>
      %dma_start3A = arith.constant 0 : i32
      %dma_start3A_39 = tpu.memref_slice %arg4[%mul3A_28, %dma_start3A] : memref<2560x128xi32, #tpu.memory_space<hbm>> -> memref<80x128xi32, #tpu.memory_space<hbm>>
      %dma_start3A_40 = arith.constant 0 : i32
      %dma_start3A_41 = tpu.memref_slice %arg4[%mul3A_28, %dma_start3A_40] : memref<2560x128xi32, #tpu.memory_space<hbm>> -> memref<80x128xi32, #tpu.memory_space<hbm>>
      tpu.enqueue_dma source(%dma_start3A_41 : memref<80x128xi32, #tpu.memory_space<hbm>>) target(%arg7 : memref<80x128xi32, #tpu.memory_space<vmem>>) target_semaphore(%run_scoped3A : memref<!tpu.dma_semaphore, #tpu.memory_space<semaphore_mem>>)
      %dma_wait3A = arith.constant 0 : i32
      %dma_wait3A_42 = tpu.memref_slice %arg4[%mul3A_28, %dma_wait3A] : memref<2560x128xi32, #tpu.memory_space<hbm>> -> memref<80x128xi32, #tpu.memory_space<hbm>>
      %dma_wait3A_43 = arith.constant 0 : i32
      %dma_wait3A_44 = tpu.memref_slice %arg4[%mul3A_28, %dma_wait3A_43] : memref<2560x128xi32, #tpu.memory_space<hbm>> -> memref<80x128xi32, #tpu.memory_space<hbm>>
      tpu.wait_dma2 semaphore(%run_scoped3A : memref<!tpu.dma_semaphore, #tpu.memory_space<semaphore_mem>>) src(%dma_wait3A_44 : memref<80x128xi32, #tpu.memory_space<hbm>>) dst(%arg7 : memref<80x128xi32, #tpu.memory_space<vmem>>)
      tpu.yield
    }) : () -> ()
    %scan3A_29 = arith.constant 0 : i32
    %scan3A_30 = arith.constant 80 : i32
    %scan3A_31 = arith.addi %scan3A_29, %scan3A_30 : i32
    %scan3A_32 = arith.constant 1 : i32
    scf.for %scan3A_39 = %scan3A_29 to %scan3A_31 step %scan3A_32  : i32 {
      %mul3A_40 = arith.constant 1 : i32
      %mul3A_41 = arith.muli %scan3A_39, %mul3A_40 : i32
      %add3A_42 = arith.constant 0 : i32
      %add3A_43 = arith.addi %add3A_42, %mul3A_41 : i32
      "tpu.region"() ({
        %run_scoped3A = tpu.sem_alloc : memref<!tpu.dma_semaphore, #tpu.memory_space<semaphore_mem>>
        %dma_start3A = arith.constant 0 : i32
        %dma_start3A_44 = tpu.memref_slice %arg6[%add3A_43, %dma_start3A] : memref<80x128xi32, #tpu.memory_space<vmem>> -> memref<1x128xi32, #tpu.memory_space<vmem>>
        %dma_start3A_45 = tpu.memref_squeeze %dma_start3A_44 : memref<1x128xi32, #tpu.memory_space<vmem>> -> memref<128xi32, #tpu.memory_space<vmem>>
        %dma_start3A_46 = arith.constant 0 : i32
        %dma_start3A_47 = arith.constant 0 : i32
        %dma_start3A_48 = tpu.memref_slice %arg2[%dma_start3A_46, %dma_start3A_47] : memref<10000x64xf32, #tpu.memory_space<hbm>> -> memref<10000x64xf32, #tpu.memory_space<hbm>>
        tpu.enqueue_indirect_dma source(%dma_start3A_48 : memref<10000x64xf32, #tpu.memory_space<hbm>>) target(%arg8 : memref<128x64xf32, #tpu.memory_space<vmem>>) offsets(%dma_start3A_45 : memref<128xi32, #tpu.memory_space<vmem>>) semaphore(%run_scoped3A : memref<!tpu.dma_semaphore, #tpu.memory_space<semaphore_mem>>)
        %dma_wait3A = arith.constant 0 : i32
        %dma_wait3A_49 = tpu.memref_slice %arg6[%add3A_43, %dma_wait3A] : memref<80x128xi32, #tpu.memory_space<vmem>> -> memref<1x128xi32, #tpu.memory_space<vmem>>
        %dma_wait3A_50 = tpu.memref_squeeze %dma_wait3A_49 : memref<1x128xi32, #tpu.memory_space<vmem>> -> memref<128xi32, #tpu.memory_space<vmem>>
        %dma_wait3A_51 = arith.constant 0 : i32
        %dma_wait3A_52 = arith.constant 0 : i32
        %dma_wait3A_53 = tpu.memref_slice %arg2[%dma_wait3A_51, %dma_wait3A_52] : memref<10000x64xf32, #tpu.memory_space<hbm>> -> memref<10000x64xf32, #tpu.memory_space<hbm>>
        tpu.wait_indirect_dma semaphore(%run_scoped3A : memref<!tpu.dma_semaphore, #tpu.memory_space<semaphore_mem>>) src(%dma_wait3A_53 : memref<10000x64xf32, #tpu.memory_space<hbm>>) dst(%arg8 : memref<128x64xf32, #tpu.memory_space<vmem>>)
        tpu.yield
      }) : () -> ()
      "tpu.region"() ({
        %run_scoped3A = tpu.sem_alloc : memref<!tpu.dma_semaphore, #tpu.memory_space<semaphore_mem>>
        %dma_start3A = arith.constant 0 : i32
        %dma_start3A_44 = tpu.memref_slice %arg7[%add3A_43, %dma_start3A] : memref<80x128xi32, #tpu.memory_space<vmem>> -> memref<1x128xi32, #tpu.memory_space<vmem>>
        %dma_start3A_45 = tpu.memref_squeeze %dma_start3A_44 : memref<1x128xi32, #tpu.memory_space<vmem>> -> memref<128xi32, #tpu.memory_space<vmem>>
        %dma_start3A_46 = arith.constant 0 : i32
        %dma_start3A_47 = arith.constant 0 : i32
        %dma_start3A_48 = tpu.memref_slice %arg10[%dma_start3A_46, %dma_start3A_47] : memref<10240x64xf32, #tpu.memory_space<vmem_shared>> -> memref<10240x64xf32, #tpu.memory_space<vmem_shared>>
        tpu.enqueue_indirect_dma source(%arg8 : memref<128x64xf32, #tpu.memory_space<vmem>>) target(%dma_start3A_48 : memref<10240x64xf32, #tpu.memory_space<vmem_shared>>) offsets(%dma_start3A_45 : memref<128xi32, #tpu.memory_space<vmem>>) semaphore(%run_scoped3A : memref<!tpu.dma_semaphore, #tpu.memory_space<semaphore_mem>>) {add = true}
        %dma_wait3A = arith.constant 0 : i32
        %dma_wait3A_49 = tpu.memref_slice %arg7[%add3A_43, %dma_wait3A] : memref<80x128xi32, #tpu.memory_space<vmem>> -> memref<1x128xi32, #tpu.memory_space<vmem>>
        %dma_wait3A_50 = tpu.memref_squeeze %dma_wait3A_49 : memref<1x128xi32, #tpu.memory_space<vmem>> -> memref<128xi32, #tpu.memory_space<vmem>>
        %dma_wait3A_51 = arith.constant 0 : i32
        %dma_wait3A_52 = arith.constant 0 : i32
        %dma_wait3A_53 = tpu.memref_slice %arg10[%dma_wait3A_51, %dma_wait3A_52] : memref<10240x64xf32, #tpu.memory_space<vmem_shared>> -> memref<10240x64xf32, #tpu.memory_space<vmem_shared>>
        tpu.wait_indirect_dma semaphore(%run_scoped3A : memref<!tpu.dma_semaphore, #tpu.memory_space<semaphore_mem>>) src(%arg8 : memref<128x64xf32, #tpu.memory_space<vmem>>) dst(%dma_wait3A_53 : memref<10240x64xf32, #tpu.memory_space<vmem_shared>>)
        tpu.yield
      }) : () -> ()
    }
    %scan3A_33 = arith.constant 80 : i32
    %barrier3A_34 = arith.constant 0 : index
    tpu.barrier barrier_id(%barrier3A_34)
    %mul3A_35 = arith.constant 640 : i32
    %mul3A_36 = arith.muli %arg1, %mul3A_35 : i32
    %mul3A_37 = arith.constant 640 : i32
    %mul3A_38 = arith.muli %arg1, %mul3A_37 : i32
    "tpu.region"() ({
      %run_scoped3A = tpu.sem_alloc : memref<!tpu.dma_semaphore, #tpu.memory_space<semaphore_mem>>
      %dma_start3A = arith.constant 0 : i32
      %dma_start3A_39 = tpu.memref_slice %arg5[%arg0, %mul3A_38, %dma_start3A] : memref<2x10240x64xf32, #tpu.memory_space<hbm>> -> memref<1x640x64xf32, #tpu.memory_space<hbm>>
      %dma_start3A_40 = tpu.memref_squeeze %dma_start3A_39 : memref<1x640x64xf32, #tpu.memory_space<hbm>> -> memref<640x64xf32, #tpu.memory_space<hbm>>
      %dma_start3A_41 = arith.constant 0 : i32
      %dma_start3A_42 = tpu.memref_slice %arg10[%mul3A_36, %dma_start3A_41] : memref<10240x64xf32, #tpu.memory_space<vmem_shared>> -> memref<640x64xf32, #tpu.memory_space<vmem_shared>>
      tpu.enqueue_dma source(%dma_start3A_42 : memref<640x64xf32, #tpu.memory_space<vmem_shared>>) target(%dma_start3A_40 : memref<640x64xf32, #tpu.memory_space<hbm>>) target_semaphore(%run_scoped3A : memref<!tpu.dma_semaphore, #tpu.memory_space<semaphore_mem>>)
      %dma_wait3A = arith.constant 0 : i32
      %dma_wait3A_43 = tpu.memref_slice %arg5[%arg0, %mul3A_38, %dma_wait3A] : memref<2x10240x64xf32, #tpu.memory_space<hbm>> -> memref<1x640x64xf32, #tpu.memory_space<hbm>>
      %dma_wait3A_44 = tpu.memref_squeeze %dma_wait3A_43 : memref<1x640x64xf32, #tpu.memory_space<hbm>> -> memref<640x64xf32, #tpu.memory_space<hbm>>
      %dma_wait3A_45 = arith.constant 0 : i32
      %dma_wait3A_46 = tpu.memref_slice %arg10[%mul3A_36, %dma_wait3A_45] : memref<10240x64xf32, #tpu.memory_space<vmem_shared>> -> memref<640x64xf32, #tpu.memory_space<vmem_shared>>
      tpu.wait_dma2 semaphore(%run_scoped3A : memref<!tpu.dma_semaphore, #tpu.memory_space<semaphore_mem>>) src(%dma_wait3A_46 : memref<640x64xf32, #tpu.memory_space<vmem_shared>>) dst(%dma_wait3A_44 : memref<640x64xf32, #tpu.memory_space<hbm>>)
      tpu.yield
    }) : () -> ()
    return
  }
}

#map = affine_map<(d0, d1) -> (0, 0)>
#map1 = affine_map<(d0, d1) -> (0, 0, 0)>
module attributes {stable_mosaic.version = 14 : i64} {
  func.func @_deg_body(%arg0: i32, %arg1: i32, %arg2: memref<2560x128xi32, #tpu.memory_space<hbm>>, %arg3: memref<2x10240x16xf32, #tpu.memory_space<hbm>>, %arg4: memref<80x128xi32, #tpu.memory_space<vmem>>, %arg5: memref<128x16xf32, #tpu.memory_space<vmem>>, %arg6: memref<128x16xf32, #tpu.memory_space<vmem>>, %arg7: memref<10240x16xf32, #tpu.memory_space<vmem_shared>>) attributes {dimension_semantics = [#tpu.dimension_semantics<core_parallel>, #tpu.dimension_semantics<subcore_parallel>], iteration_bounds = array<i64: 2, 16>, scalar_prefetch = 0 : i64, scratch_operands = 4 : i64, tpu.core_type = #tpu.core_type<sc_vector_subcore>, window_params = [{transform_indices = #map}, {transform_indices = #map1}]} {
    %mul3A = arith.constant 16 : i32
    %mul3A_0 = arith.muli %arg0, %mul3A : i32
    %add3A = arith.addi %mul3A_0, %arg1 : i32
    %scan3A = arith.constant 0 : i32
    %scan3A_1 = arith.constant 128 : i32
    %scan3A_2 = arith.addi %scan3A, %scan3A_1 : i32
    %scan3A_3 = arith.constant 1 : i32
    scf.for %scan3A_42 = %scan3A to %scan3A_2 step %scan3A_3  : i32 {
      %mul3A_43 = arith.constant 1 : i32
      %mul3A_44 = arith.muli %scan3A_42, %mul3A_43 : i32
      %add3A_45 = arith.constant 0 : i32
      %add3A_46 = arith.addi %add3A_45, %mul3A_44 : i32
      %broadcast_in_dim3A = arith.constant 0.000000e+00 : f32
      %broadcast_in_dim3A_47 = vector.broadcast %broadcast_in_dim3A : f32 to vector<16xf32>
      %swap3A = arith.index_cast %add3A_46 : i32 to index
      %swap3A_48 = arith.constant 0 : index
      %swap3A_49 = tpu.vector_load %arg6[%swap3A, %swap3A_48] {strides = array<i32>} : memref<128x16xf32, #tpu.memory_space<vmem>>, vector<1x16xf32>,
      %swap3A_50 = vector.shape_cast %swap3A_49 : vector<1x16xf32> to vector<16xf32>
      %swap3A_51 = vector.shape_cast %broadcast_in_dim3A_47 : vector<16xf32> to vector<1x16xf32>
      tpu.vector_store %arg6[%swap3A, %swap3A_48], %swap3A_51 {strides = array<i32>} : memref<128x16xf32, #tpu.memory_space<vmem>>, vector<1x16xf32>,
    }
    %scan3A_4 = arith.constant 128 : i32
    %scan3A_5 = arith.constant 0 : i32
    %scan3A_6 = arith.constant 128 : i32
    %scan3A_7 = arith.addi %scan3A_5, %scan3A_6 : i32
    %scan3A_8 = arith.constant 1 : i32
    scf.for %scan3A_42 = %scan3A_5 to %scan3A_7 step %scan3A_8  : i32 {
      %mul3A_43 = arith.constant 1 : i32
      %mul3A_44 = arith.muli %scan3A_42, %mul3A_43 : i32
      %add3A_45 = arith.constant 0 : i32
      %add3A_46 = arith.addi %add3A_45, %mul3A_44 : i32
      %broadcast_in_dim3A = arith.constant 1.000000e+00 : f32
      %broadcast_in_dim3A_47 = vector.broadcast %broadcast_in_dim3A : f32 to vector<16xf32>
      %swap3A = arith.index_cast %add3A_46 : i32 to index
      %swap3A_48 = arith.constant 0 : index
      %swap3A_49 = tpu.vector_load %arg5[%swap3A, %swap3A_48] {strides = array<i32>} : memref<128x16xf32, #tpu.memory_space<vmem>>, vector<1x16xf32>,
      %swap3A_50 = vector.shape_cast %swap3A_49 : vector<1x16xf32> to vector<16xf32>
      %swap3A_51 = vector.shape_cast %broadcast_in_dim3A_47 : vector<16xf32> to vector<1x16xf32>
      tpu.vector_store %arg5[%swap3A, %swap3A_48], %swap3A_51 {strides = array<i32>} : memref<128x16xf32, #tpu.memory_space<vmem>>, vector<1x16xf32>,
    }
    %scan3A_9 = arith.constant 128 : i32
    %mul3A_10 = arith.constant 640 : i32
    %mul3A_11 = arith.muli %arg1, %mul3A_10 : i32
    %add3A_12 = arith.constant 0 : i32
    %add3A_13 = arith.addi %mul3A_11, %add3A_12 : i32
    "tpu.region"() ({
      %run_scoped3A = tpu.sem_alloc : memref<!tpu.dma_semaphore, #tpu.memory_space<semaphore_mem>>
      %dma_start3A = arith.constant 0 : i32
      %dma_start3A_42 = tpu.memref_slice %arg7[%add3A_13, %dma_start3A] : memref<10240x16xf32, #tpu.memory_space<vmem_shared>> -> memref<128x16xf32, #tpu.memory_space<vmem_shared>>
      %dma_start3A_43 = arith.constant 0 : i32
      %dma_start3A_44 = tpu.memref_slice %arg7[%add3A_13, %dma_start3A_43] : memref<10240x16xf32, #tpu.memory_space<vmem_shared>> -> memref<128x16xf32, #tpu.memory_space<vmem_shared>>
      tpu.enqueue_dma source(%arg6 : memref<128x16xf32, #tpu.memory_space<vmem>>) target(%dma_start3A_44 : memref<128x16xf32, #tpu.memory_space<vmem_shared>>) target_semaphore(%run_scoped3A : memref<!tpu.dma_semaphore, #tpu.memory_space<semaphore_mem>>)
      %dma_wait3A = arith.constant 0 : i32
      %dma_wait3A_45 = tpu.memref_slice %arg7[%add3A_13, %dma_wait3A] : memref<10240x16xf32, #tpu.memory_space<vmem_shared>> -> memref<128x16xf32, #tpu.memory_space<vmem_shared>>
      %dma_wait3A_46 = arith.constant 0 : i32
      %dma_wait3A_47 = tpu.memref_slice %arg7[%add3A_13, %dma_wait3A_46] : memref<10240x16xf32, #tpu.memory_space<vmem_shared>> -> memref<128x16xf32, #tpu.memory_space<vmem_shared>>
      tpu.wait_dma2 semaphore(%run_scoped3A : memref<!tpu.dma_semaphore, #tpu.memory_space<semaphore_mem>>) src(%arg6 : memref<128x16xf32, #tpu.memory_space<vmem>>) dst(%dma_wait3A_47 : memref<128x16xf32, #tpu.memory_space<vmem_shared>>)
      tpu.yield
    }) : () -> ()
    %mul3A_14 = arith.constant 640 : i32
    %mul3A_15 = arith.muli %arg1, %mul3A_14 : i32
    %add3A_16 = arith.constant 128 : i32
    %add3A_17 = arith.addi %mul3A_15, %add3A_16 : i32
    "tpu.region"() ({
      %run_scoped3A = tpu.sem_alloc : memref<!tpu.dma_semaphore, #tpu.memory_space<semaphore_mem>>
      %dma_start3A = arith.constant 0 : i32
      %dma_start3A_42 = tpu.memref_slice %arg7[%add3A_17, %dma_start3A] : memref<10240x16xf32, #tpu.memory_space<vmem_shared>> -> memref<128x16xf32, #tpu.memory_space<vmem_shared>>
      %dma_start3A_43 = arith.constant 0 : i32
      %dma_start3A_44 = tpu.memref_slice %arg7[%add3A_17, %dma_start3A_43] : memref<10240x16xf32, #tpu.memory_space<vmem_shared>> -> memref<128x16xf32, #tpu.memory_space<vmem_shared>>
      tpu.enqueue_dma source(%arg6 : memref<128x16xf32, #tpu.memory_space<vmem>>) target(%dma_start3A_44 : memref<128x16xf32, #tpu.memory_space<vmem_shared>>) target_semaphore(%run_scoped3A : memref<!tpu.dma_semaphore, #tpu.memory_space<semaphore_mem>>)
      %dma_wait3A = arith.constant 0 : i32
      %dma_wait3A_45 = tpu.memref_slice %arg7[%add3A_17, %dma_wait3A] : memref<10240x16xf32, #tpu.memory_space<vmem_shared>> -> memref<128x16xf32, #tpu.memory_space<vmem_shared>>
      %dma_wait3A_46 = arith.constant 0 : i32
      %dma_wait3A_47 = tpu.memref_slice %arg7[%add3A_17, %dma_wait3A_46] : memref<10240x16xf32, #tpu.memory_space<vmem_shared>> -> memref<128x16xf32, #tpu.memory_space<vmem_shared>>
      tpu.wait_dma2 semaphore(%run_scoped3A : memref<!tpu.dma_semaphore, #tpu.memory_space<semaphore_mem>>) src(%arg6 : memref<128x16xf32, #tpu.memory_space<vmem>>) dst(%dma_wait3A_47 : memref<128x16xf32, #tpu.memory_space<vmem_shared>>)
      tpu.yield
    }) : () -> ()
    %mul3A_18 = arith.constant 640 : i32
    %mul3A_19 = arith.muli %arg1, %mul3A_18 : i32
    %add3A_20 = arith.constant 256 : i32
    %add3A_21 = arith.addi %mul3A_19, %add3A_20 : i32
    "tpu.region"() ({
      %run_scoped3A = tpu.sem_alloc : memref<!tpu.dma_semaphore, #tpu.memory_space<semaphore_mem>>
      %dma_start3A = arith.constant 0 : i32
      %dma_start3A_42 = tpu.memref_slice %arg7[%add3A_21, %dma_start3A] : memref<10240x16xf32, #tpu.memory_space<vmem_shared>> -> memref<128x16xf32, #tpu.memory_space<vmem_shared>>
      %dma_start3A_43 = arith.constant 0 : i32
      %dma_start3A_44 = tpu.memref_slice %arg7[%add3A_21, %dma_start3A_43] : memref<10240x16xf32, #tpu.memory_space<vmem_shared>> -> memref<128x16xf32, #tpu.memory_space<vmem_shared>>
      tpu.enqueue_dma source(%arg6 : memref<128x16xf32, #tpu.memory_space<vmem>>) target(%dma_start3A_44 : memref<128x16xf32, #tpu.memory_space<vmem_shared>>) target_semaphore(%run_scoped3A : memref<!tpu.dma_semaphore, #tpu.memory_space<semaphore_mem>>)
      %dma_wait3A = arith.constant 0 : i32
      %dma_wait3A_45 = tpu.memref_slice %arg7[%add3A_21, %dma_wait3A] : memref<10240x16xf32, #tpu.memory_space<vmem_shared>> -> memref<128x16xf32, #tpu.memory_space<vmem_shared>>
      %dma_wait3A_46 = arith.constant 0 : i32
      %dma_wait3A_47 = tpu.memref_slice %arg7[%add3A_21, %dma_wait3A_46] : memref<10240x16xf32, #tpu.memory_space<vmem_shared>> -> memref<128x16xf32, #tpu.memory_space<vmem_shared>>
      tpu.wait_dma2 semaphore(%run_scoped3A : memref<!tpu.dma_semaphore, #tpu.memory_space<semaphore_mem>>) src(%arg6 : memref<128x16xf32, #tpu.memory_space<vmem>>) dst(%dma_wait3A_47 : memref<128x16xf32, #tpu.memory_space<vmem_shared>>)
      tpu.yield
    }) : () -> ()
    %mul3A_22 = arith.constant 640 : i32
    %mul3A_23 = arith.muli %arg1, %mul3A_22 : i32
    %add3A_24 = arith.constant 384 : i32
    %add3A_25 = arith.addi %mul3A_23, %add3A_24 : i32
    "tpu.region"() ({
      %run_scoped3A = tpu.sem_alloc : memref<!tpu.dma_semaphore, #tpu.memory_space<semaphore_mem>>
      %dma_start3A = arith.constant 0 : i32
      %dma_start3A_42 = tpu.memref_slice %arg7[%add3A_25, %dma_start3A] : memref<10240x16xf32, #tpu.memory_space<vmem_shared>> -> memref<128x16xf32, #tpu.memory_space<vmem_shared>>
      %dma_start3A_43 = arith.constant 0 : i32
      %dma_start3A_44 = tpu.memref_slice %arg7[%add3A_25, %dma_start3A_43] : memref<10240x16xf32, #tpu.memory_space<vmem_shared>> -> memref<128x16xf32, #tpu.memory_space<vmem_shared>>
      tpu.enqueue_dma source(%arg6 : memref<128x16xf32, #tpu.memory_space<vmem>>) target(%dma_start3A_44 : memref<128x16xf32, #tpu.memory_space<vmem_shared>>) target_semaphore(%run_scoped3A : memref<!tpu.dma_semaphore, #tpu.memory_space<semaphore_mem>>)
      %dma_wait3A = arith.constant 0 : i32
      %dma_wait3A_45 = tpu.memref_slice %arg7[%add3A_25, %dma_wait3A] : memref<10240x16xf32, #tpu.memory_space<vmem_shared>> -> memref<128x16xf32, #tpu.memory_space<vmem_shared>>
      %dma_wait3A_46 = arith.constant 0 : i32
      %dma_wait3A_47 = tpu.memref_slice %arg7[%add3A_25, %dma_wait3A_46] : memref<10240x16xf32, #tpu.memory_space<vmem_shared>> -> memref<128x16xf32, #tpu.memory_space<vmem_shared>>
      tpu.wait_dma2 semaphore(%run_scoped3A : memref<!tpu.dma_semaphore, #tpu.memory_space<semaphore_mem>>) src(%arg6 : memref<128x16xf32, #tpu.memory_space<vmem>>) dst(%dma_wait3A_47 : memref<128x16xf32, #tpu.memory_space<vmem_shared>>)
      tpu.yield
    }) : () -> ()
    %mul3A_26 = arith.constant 640 : i32
    %mul3A_27 = arith.muli %arg1, %mul3A_26 : i32
    %add3A_28 = arith.constant 512 : i32
    %add3A_29 = arith.addi %mul3A_27, %add3A_28 : i32
    "tpu.region"() ({
      %run_scoped3A = tpu.sem_alloc : memref<!tpu.dma_semaphore, #tpu.memory_space<semaphore_mem>>
      %dma_start3A = arith.constant 0 : i32
      %dma_start3A_42 = tpu.memref_slice %arg7[%add3A_29, %dma_start3A] : memref<10240x16xf32, #tpu.memory_space<vmem_shared>> -> memref<128x16xf32, #tpu.memory_space<vmem_shared>>
      %dma_start3A_43 = arith.constant 0 : i32
      %dma_start3A_44 = tpu.memref_slice %arg7[%add3A_29, %dma_start3A_43] : memref<10240x16xf32, #tpu.memory_space<vmem_shared>> -> memref<128x16xf32, #tpu.memory_space<vmem_shared>>
      tpu.enqueue_dma source(%arg6 : memref<128x16xf32, #tpu.memory_space<vmem>>) target(%dma_start3A_44 : memref<128x16xf32, #tpu.memory_space<vmem_shared>>) target_semaphore(%run_scoped3A : memref<!tpu.dma_semaphore, #tpu.memory_space<semaphore_mem>>)
      %dma_wait3A = arith.constant 0 : i32
      %dma_wait3A_45 = tpu.memref_slice %arg7[%add3A_29, %dma_wait3A] : memref<10240x16xf32, #tpu.memory_space<vmem_shared>> -> memref<128x16xf32, #tpu.memory_space<vmem_shared>>
      %dma_wait3A_46 = arith.constant 0 : i32
      %dma_wait3A_47 = tpu.memref_slice %arg7[%add3A_29, %dma_wait3A_46] : memref<10240x16xf32, #tpu.memory_space<vmem_shared>> -> memref<128x16xf32, #tpu.memory_space<vmem_shared>>
      tpu.wait_dma2 semaphore(%run_scoped3A : memref<!tpu.dma_semaphore, #tpu.memory_space<semaphore_mem>>) src(%arg6 : memref<128x16xf32, #tpu.memory_space<vmem>>) dst(%dma_wait3A_47 : memref<128x16xf32, #tpu.memory_space<vmem_shared>>)
      tpu.yield
    }) : () -> ()
    %barrier3A = arith.constant 0 : index
    tpu.barrier barrier_id(%barrier3A)
    %mul3A_30 = arith.constant 80 : i32
    %mul3A_31 = arith.muli %add3A, %mul3A_30 : i32
    "tpu.region"() ({
      %run_scoped3A = tpu.sem_alloc : memref<!tpu.dma_semaphore, #tpu.memory_space<semaphore_mem>>
      %dma_start3A = arith.constant 0 : i32
      %dma_start3A_42 = tpu.memref_slice %arg2[%mul3A_31, %dma_start3A] : memref<2560x128xi32, #tpu.memory_space<hbm>> -> memref<80x128xi32, #tpu.memory_space<hbm>>
      %dma_start3A_43 = arith.constant 0 : i32
      %dma_start3A_44 = tpu.memref_slice %arg2[%mul3A_31, %dma_start3A_43] : memref<2560x128xi32, #tpu.memory_space<hbm>> -> memref<80x128xi32, #tpu.memory_space<hbm>>
      tpu.enqueue_dma source(%dma_start3A_44 : memref<80x128xi32, #tpu.memory_space<hbm>>) target(%arg4 : memref<80x128xi32, #tpu.memory_space<vmem>>) target_semaphore(%run_scoped3A : memref<!tpu.dma_semaphore, #tpu.memory_space<semaphore_mem>>)
      %dma_wait3A = arith.constant 0 : i32
      %dma_wait3A_45 = tpu.memref_slice %arg2[%mul3A_31, %dma_wait3A] : memref<2560x128xi32, #tpu.memory_space<hbm>> -> memref<80x128xi32, #tpu.memory_space<hbm>>
      %dma_wait3A_46 = arith.constant 0 : i32
      %dma_wait3A_47 = tpu.memref_slice %arg2[%mul3A_31, %dma_wait3A_46] : memref<2560x128xi32, #tpu.memory_space<hbm>> -> memref<80x128xi32, #tpu.memory_space<hbm>>
      tpu.wait_dma2 semaphore(%run_scoped3A : memref<!tpu.dma_semaphore, #tpu.memory_space<semaphore_mem>>) src(%dma_wait3A_47 : memref<80x128xi32, #tpu.memory_space<hbm>>) dst(%arg4 : memref<80x128xi32, #tpu.memory_space<vmem>>)
      tpu.yield
    }) : () -> ()
    %scan3A_32 = arith.constant 0 : i32
    %scan3A_33 = arith.constant 80 : i32
    %scan3A_34 = arith.addi %scan3A_32, %scan3A_33 : i32
    %scan3A_35 = arith.constant 1 : i32
    scf.for %scan3A_42 = %scan3A_32 to %scan3A_34 step %scan3A_35  : i32 {
      %mul3A_43 = arith.constant 1 : i32
      %mul3A_44 = arith.muli %scan3A_42, %mul3A_43 : i32
      %add3A_45 = arith.constant 0 : i32
      %add3A_46 = arith.addi %add3A_45, %mul3A_44 : i32
      "tpu.region"() ({
        %run_scoped3A = tpu.sem_alloc : memref<!tpu.dma_semaphore, #tpu.memory_space<semaphore_mem>>
        %dma_start3A = arith.constant 0 : i32
        %dma_start3A_47 = tpu.memref_slice %arg4[%add3A_46, %dma_start3A] : memref<80x128xi32, #tpu.memory_space<vmem>> -> memref<1x128xi32, #tpu.memory_space<vmem>>
        %dma_start3A_48 = tpu.memref_squeeze %dma_start3A_47 : memref<1x128xi32, #tpu.memory_space<vmem>> -> memref<128xi32, #tpu.memory_space<vmem>>
        %dma_start3A_49 = arith.constant 0 : i32
        %dma_start3A_50 = arith.constant 0 : i32
        %dma_start3A_51 = tpu.memref_slice %arg7[%dma_start3A_49, %dma_start3A_50] : memref<10240x16xf32, #tpu.memory_space<vmem_shared>> -> memref<10240x16xf32, #tpu.memory_space<vmem_shared>>
        tpu.enqueue_indirect_dma source(%arg5 : memref<128x16xf32, #tpu.memory_space<vmem>>) target(%dma_start3A_51 : memref<10240x16xf32, #tpu.memory_space<vmem_shared>>) offsets(%dma_start3A_48 : memref<128xi32, #tpu.memory_space<vmem>>) semaphore(%run_scoped3A : memref<!tpu.dma_semaphore, #tpu.memory_space<semaphore_mem>>) {add = true}
        %dma_wait3A = arith.constant 0 : i32
        %dma_wait3A_52 = tpu.memref_slice %arg4[%add3A_46, %dma_wait3A] : memref<80x128xi32, #tpu.memory_space<vmem>> -> memref<1x128xi32, #tpu.memory_space<vmem>>
        %dma_wait3A_53 = tpu.memref_squeeze %dma_wait3A_52 : memref<1x128xi32, #tpu.memory_space<vmem>> -> memref<128xi32, #tpu.memory_space<vmem>>
        %dma_wait3A_54 = arith.constant 0 : i32
        %dma_wait3A_55 = arith.constant 0 : i32
        %dma_wait3A_56 = tpu.memref_slice %arg7[%dma_wait3A_54, %dma_wait3A_55] : memref<10240x16xf32, #tpu.memory_space<vmem_shared>> -> memref<10240x16xf32, #tpu.memory_space<vmem_shared>>
        tpu.wait_indirect_dma semaphore(%run_scoped3A : memref<!tpu.dma_semaphore, #tpu.memory_space<semaphore_mem>>) src(%arg5 : memref<128x16xf32, #tpu.memory_space<vmem>>) dst(%dma_wait3A_56 : memref<10240x16xf32, #tpu.memory_space<vmem_shared>>)
        tpu.yield
      }) : () -> ()
    }
    %scan3A_36 = arith.constant 80 : i32
    %barrier3A_37 = arith.constant 0 : index
    tpu.barrier barrier_id(%barrier3A_37)
    %mul3A_38 = arith.constant 640 : i32
    %mul3A_39 = arith.muli %arg1, %mul3A_38 : i32
    %mul3A_40 = arith.constant 640 : i32
    %mul3A_41 = arith.muli %arg1, %mul3A_40 : i32
    "tpu.region"() ({
      %run_scoped3A = tpu.sem_alloc : memref<!tpu.dma_semaphore, #tpu.memory_space<semaphore_mem>>
      %dma_start3A = arith.constant 0 : i32
      %dma_start3A_42 = tpu.memref_slice %arg3[%arg0, %mul3A_41, %dma_start3A] : memref<2x10240x16xf32, #tpu.memory_space<hbm>> -> memref<1x640x16xf32, #tpu.memory_space<hbm>>
      %dma_start3A_43 = tpu.memref_squeeze %dma_start3A_42 : memref<1x640x16xf32, #tpu.memory_space<hbm>> -> memref<640x16xf32, #tpu.memory_space<hbm>>
      %dma_start3A_44 = arith.constant 0 : i32
      %dma_start3A_45 = tpu.memref_slice %arg7[%mul3A_39, %dma_start3A_44] : memref<10240x16xf32, #tpu.memory_space<vmem_shared>> -> memref<640x16xf32, #tpu.memory_space<vmem_shared>>
      tpu.enqueue_dma source(%dma_start3A_45 : memref<640x16xf32, #tpu.memory_space<vmem_shared>>) target(%dma_start3A_43 : memref<640x16xf32, #tpu.memory_space<hbm>>) target_semaphore(%run_scoped3A : memref<!tpu.dma_semaphore, #tpu.memory_space<semaphore_mem>>)
      %dma_wait3A = arith.constant 0 : i32
      %dma_wait3A_46 = tpu.memref_slice %arg3[%arg0, %mul3A_41, %dma_wait3A] : memref<2x10240x16xf32, #tpu.memory_space<hbm>> -> memref<1x640x16xf32, #tpu.memory_space<hbm>>
      %dma_wait3A_47 = tpu.memref_squeeze %dma_wait3A_46 : memref<1x640x16xf32, #tpu.memory_space<hbm>> -> memref<640x16xf32, #tpu.memory_space<hbm>>
      %dma_wait3A_48 = arith.constant 0 : i32
      %dma_wait3A_49 = tpu.memref_slice %arg7[%mul3A_39, %dma_wait3A_48] : memref<10240x16xf32, #tpu.memory_space<vmem_shared>> -> memref<640x16xf32, #tpu.memory_space<vmem_shared>>
      tpu.wait_dma2 semaphore(%run_scoped3A : memref<!tpu.dma_semaphore, #tpu.memory_space<semaphore_mem>>) src(%dma_wait3A_49 : memref<640x16xf32, #tpu.memory_space<vmem_shared>>) dst(%dma_wait3A_47 : memref<640x16xf32, #tpu.memory_space<hbm>>)
      tpu.yield
    }) : () -> ()
    return
  }
}

module attributes {stable_mosaic.version = 14 : i64} {
  func.func @_tc_a_body(%arg0: i32, %arg1: memref<1000x128xf32, #tpu.memory_space<vmem>>, %arg2: memref<128x64xf32, #tpu.memory_space<vmem>>, %arg3: memref<2x1000x16xf32, #tpu.memory_space<vmem>>, %arg4: memref<1000x64xf32, #tpu.memory_space<vmem>>) attributes {dimension_semantics = [#tpu.dimension_semantics<arbitrary>], iteration_bounds = array<i64: 10>, scalar_prefetch = 0 : i64, scratch_operands = 0 : i64, tpu.core_type = #tpu.core_type<tc>, window_params = [{transform_indices = @transform_0, window_bounds = array<i64: 1000, 128>}, {pipeline_mode = #tpu.pipeline_mode<synchronous>, transform_indices = @transform_1, window_bounds = array<i64: 128, 64>}, {transform_indices = @transform_2, window_bounds = array<i64: 2, 1000, 16>}, {transform_indices = @transform_3, window_bounds = array<i64: 1000, 64>}]} {
    %get3A = arith.constant 0 : index
    %get3A_0 = arith.constant 0 : index
    %get3A_1 = arith.constant 0 : index
    %get3A_2 = vector.load %arg3[%get3A, %get3A_0, %get3A_1] : memref<2x1000x16xf32, #tpu.memory_space<vmem>>, vector<1x1000x16xf32>
    %get3A_3 = vector.shape_cast %get3A_2 : vector<1x1000x16xf32> to vector<1000x16xf32>
    %slice3A = vector.extract_strided_slice %get3A_3 {offsets = [0, 0], sizes = [1000, 1], strides = [1, 1]} : vector<1000x16xf32> to vector<1000x1xf32>
    %get3A_4 = arith.constant 1 : index
    %get3A_5 = arith.constant 0 : index
    %get3A_6 = arith.constant 0 : index
    %get3A_7 = vector.load %arg3[%get3A_4, %get3A_5, %get3A_6] : memref<2x1000x16xf32, #tpu.memory_space<vmem>>, vector<1x1000x16xf32>
    %get3A_8 = vector.shape_cast %get3A_7 : vector<1x1000x16xf32> to vector<1000x16xf32>
    %slice3A_9 = vector.extract_strided_slice %get3A_8 {offsets = [0, 0], sizes = [1000, 1], strides = [1, 1]} : vector<1000x16xf32> to vector<1000x1xf32>
    %add3A = arith.addf %slice3A, %slice3A_9 : vector<1000x1xf32>
    %add3A_10 = arith.constant 1.000000e+00 : f32
    %add3A_11 = vector.broadcast %add3A_10 : f32 to vector<1000x1xf32>
    %add3A_12 = arith.addf %add3A, %add3A_11 : vector<1000x1xf32>
    %rsqrt3A = math.rsqrt %add3A_12 : vector<1000x1xf32>
    %get3A_13 = arith.constant 0 : index
    %get3A_14 = arith.constant 0 : index
    %get3A_15 = vector.load %arg1[%get3A_13, %get3A_14] : memref<1000x128xf32, #tpu.memory_space<vmem>>, vector<1000x128xf32>
    %get3A_16 = arith.constant 0 : index
    %get3A_17 = arith.constant 0 : index
    %get3A_18 = vector.load %arg2[%get3A_16, %get3A_17] : memref<128x64xf32, #tpu.memory_space<vmem>>, vector<128x64xf32>
    %dot_general3A = arith.constant dense<0.000000e+00> : vector<1000x64xf32>
    %dot_general3A_19 = tpu.matmul %get3A_15, %get3A_18, %dot_general3A {dimension_numbers = #tpu.dot_dimension_numbers<[1], [0], [0], [1], [0, 0, 1, 1], [], []>, transpose_lhs_hint = false} : vector<1000x128xf32>, vector<128x64xf32>, vector<1000x64xf32> -> vector<1000x64xf32>
    %mul3A = vector.broadcast %rsqrt3A : vector<1000x1xf32> to vector<1000x64xf32>
    %mul3A_20 = arith.mulf %dot_general3A_19, %mul3A : vector<1000x64xf32>
    %swap3A = arith.constant 0 : index
    %swap3A_21 = arith.constant 0 : index
    %swap3A_22 = vector.load %arg4[%swap3A, %swap3A_21] : memref<1000x64xf32, #tpu.memory_space<vmem>>, vector<1000x64xf32>
    tpu.vector_store %arg4[%swap3A, %swap3A_21], %mul3A_20 {strides = array<i32>} : memref<1000x64xf32, #tpu.memory_space<vmem>>, vector<1000x64xf32>,
    return
  }
  func.func @transform_0(%arg0: i32) -> (i32, i32) {
    %c0_i32 = arith.constant 0 : i32
    %c0_i32_0 = arith.constant 0 : i32
    return %arg0, %c0_i32 : i32, i32
  }
  func.func @transform_1(%arg0: i32) -> (i32, i32) {
    %c0_i32 = arith.constant 0 : i32
    %c0_i32_0 = arith.constant 0 : i32
    %c0_i32_1 = arith.constant 0 : i32
    return %c0_i32, %c0_i32_0 : i32, i32
  }
  func.func @transform_2(%arg0: i32) -> (i32, i32, i32) {
    %c0_i32 = arith.constant 0 : i32
    %c0_i32_0 = arith.constant 0 : i32
    %c0_i32_1 = arith.constant 0 : i32
    return %c0_i32, %arg0, %c0_i32_0 : i32, i32, i32
  }
  func.func @transform_3(%arg0: i32) -> (i32, i32) {
    %c0_i32 = arith.constant 0 : i32
    %c0_i32_0 = arith.constant 0 : i32
    return %arg0, %c0_i32 : i32, i32
  }
}

module attributes {stable_mosaic.version = 14 : i64} {
  func.func @_tc_b_body(%arg0: i32, %arg1: memref<2x1000x64xf32, #tpu.memory_space<vmem>>, %arg2: memref<1000x64xf32, #tpu.memory_space<vmem>>, %arg3: memref<2x1000x16xf32, #tpu.memory_space<vmem>>, %arg4: memref<1x64xf32, #tpu.memory_space<vmem>>, %arg5: memref<64x16xf32, #tpu.memory_space<vmem>>, %arg6: memref<1000x16xf32, #tpu.memory_space<vmem>>) attributes {dimension_semantics = [#tpu.dimension_semantics<arbitrary>], iteration_bounds = array<i64: 10>, scalar_prefetch = 0 : i64, scratch_operands = 0 : i64, tpu.core_type = #tpu.core_type<tc>, window_params = [{transform_indices = @transform_0, window_bounds = array<i64: 2, 1000, 64>}, {transform_indices = @transform_1, window_bounds = array<i64: 1000, 64>}, {transform_indices = @transform_2, window_bounds = array<i64: 2, 1000, 16>}, {pipeline_mode = #tpu.pipeline_mode<synchronous>, transform_indices = @transform_3, window_bounds = array<i64: 1, 64>}, {pipeline_mode = #tpu.pipeline_mode<synchronous>, transform_indices = @transform_4, window_bounds = array<i64: 64, 16>}, {transform_indices = @transform_5, window_bounds = array<i64: 1000, 16>}]} {
    %get3A = arith.constant 0 : index
    %get3A_0 = arith.constant 0 : index
    %get3A_1 = arith.constant 0 : index
    %get3A_2 = vector.load %arg3[%get3A, %get3A_0, %get3A_1] : memref<2x1000x16xf32, #tpu.memory_space<vmem>>, vector<1x1000x16xf32>
    %get3A_3 = vector.shape_cast %get3A_2 : vector<1x1000x16xf32> to vector<1000x16xf32>
    %slice3A = vector.extract_strided_slice %get3A_3 {offsets = [0, 0], sizes = [1000, 1], strides = [1, 1]} : vector<1000x16xf32> to vector<1000x1xf32>
    %get3A_4 = arith.constant 1 : index
    %get3A_5 = arith.constant 0 : index
    %get3A_6 = arith.constant 0 : index
    %get3A_7 = vector.load %arg3[%get3A_4, %get3A_5, %get3A_6] : memref<2x1000x16xf32, #tpu.memory_space<vmem>>, vector<1x1000x16xf32>
    %get3A_8 = vector.shape_cast %get3A_7 : vector<1x1000x16xf32> to vector<1000x16xf32>
    %slice3A_9 = vector.extract_strided_slice %get3A_8 {offsets = [0, 0], sizes = [1000, 1], strides = [1, 1]} : vector<1000x16xf32> to vector<1000x1xf32>
    %add3A = arith.addf %slice3A, %slice3A_9 : vector<1000x1xf32>
    %add3A_10 = arith.constant 1.000000e+00 : f32
    %add3A_11 = vector.broadcast %add3A_10 : f32 to vector<1000x1xf32>
    %add3A_12 = arith.addf %add3A, %add3A_11 : vector<1000x1xf32>
    %rsqrt3A = math.rsqrt %add3A_12 : vector<1000x1xf32>
    %get3A_13 = arith.constant 0 : index
    %get3A_14 = arith.constant 0 : index
    %get3A_15 = arith.constant 0 : index
    %get3A_16 = vector.load %arg1[%get3A_13, %get3A_14, %get3A_15] : memref<2x1000x64xf32, #tpu.memory_space<vmem>>, vector<1x1000x64xf32>
    %get3A_17 = vector.shape_cast %get3A_16 : vector<1x1000x64xf32> to vector<1000x64xf32>
    %get3A_18 = arith.constant 1 : index
    %get3A_19 = arith.constant 0 : index
    %get3A_20 = arith.constant 0 : index
    %get3A_21 = vector.load %arg1[%get3A_18, %get3A_19, %get3A_20] : memref<2x1000x64xf32, #tpu.memory_space<vmem>>, vector<1x1000x64xf32>
    %get3A_22 = vector.shape_cast %get3A_21 : vector<1x1000x64xf32> to vector<1000x64xf32>
    %add3A_23 = arith.addf %get3A_17, %get3A_22 : vector<1000x64xf32>
    %get3A_24 = arith.constant 0 : index
    %get3A_25 = arith.constant 0 : index
    %get3A_26 = vector.load %arg2[%get3A_24, %get3A_25] : memref<1000x64xf32, #tpu.memory_space<vmem>>, vector<1000x64xf32>
    %add3A_27 = arith.addf %add3A_23, %get3A_26 : vector<1000x64xf32>
    %mul3A = vector.broadcast %rsqrt3A : vector<1000x1xf32> to vector<1000x64xf32>
    %mul3A_28 = arith.mulf %add3A_27, %mul3A : vector<1000x64xf32>
    %get3A_29 = arith.constant 0 : index
    %get3A_30 = arith.constant 0 : index
    %get3A_31 = vector.load %arg4[%get3A_29, %get3A_30] : memref<1x64xf32, #tpu.memory_space<vmem>>, vector<1x64xf32>
    %add3A_32 = vector.broadcast %get3A_31 : vector<1x64xf32> to vector<1000x64xf32>
    %add3A_33 = arith.addf %mul3A_28, %add3A_32 : vector<1000x64xf32>
    %max3A = arith.constant 0.000000e+00 : f32
    %max3A_34 = vector.broadcast %max3A : f32 to vector<1000x64xf32>
    %max3A_35 = arith.maximumf %add3A_33, %max3A_34 : vector<1000x64xf32>
    %get3A_36 = arith.constant 0 : index
    %get3A_37 = arith.constant 0 : index
    %get3A_38 = vector.load %arg5[%get3A_36, %get3A_37] : memref<64x16xf32, #tpu.memory_space<vmem>>, vector<64x16xf32>
    %dot_general3A = arith.constant dense<0.000000e+00> : vector<1000x16xf32>
    %dot_general3A_39 = tpu.matmul %max3A_35, %get3A_38, %dot_general3A {dimension_numbers = #tpu.dot_dimension_numbers<[1], [0], [0], [1], [0, 0, 1, 1], [], []>, transpose_lhs_hint = false} : vector<1000x64xf32>, vector<64x16xf32>, vector<1000x16xf32> -> vector<1000x16xf32>
    %mul3A_40 = vector.broadcast %rsqrt3A : vector<1000x1xf32> to vector<1000x16xf32>
    %mul3A_41 = arith.mulf %dot_general3A_39, %mul3A_40 : vector<1000x16xf32>
    %swap3A = arith.constant 0 : index
    %swap3A_42 = arith.constant 0 : index
    %swap3A_43 = vector.load %arg6[%swap3A, %swap3A_42] : memref<1000x16xf32, #tpu.memory_space<vmem>>, vector<1000x16xf32>
    tpu.vector_store %arg6[%swap3A, %swap3A_42], %mul3A_41 {strides = array<i32>} : memref<1000x16xf32, #tpu.memory_space<vmem>>, vector<1000x16xf32>,
    return
  }
  func.func @transform_0(%arg0: i32) -> (i32, i32, i32) {
    %c0_i32 = arith.constant 0 : i32
    %c0_i32_0 = arith.constant 0 : i32
    %c0_i32_1 = arith.constant 0 : i32
    return %c0_i32, %arg0, %c0_i32_0 : i32, i32, i32
  }
  func.func @transform_1(%arg0: i32) -> (i32, i32) {
    %c0_i32 = arith.constant 0 : i32
    %c0_i32_0 = arith.constant 0 : i32
    return %arg0, %c0_i32 : i32, i32
  }
  func.func @transform_2(%arg0: i32) -> (i32, i32, i32) {
    %c0_i32 = arith.constant 0 : i32
    %c0_i32_0 = arith.constant 0 : i32
    %c0_i32_1 = arith.constant 0 : i32
    return %c0_i32, %arg0, %c0_i32_0 : i32, i32, i32
  }
  func.func @transform_3(%arg0: i32) -> (i32, i32) {
    %c0_i32 = arith.constant 0 : i32
    %c0_i32_0 = arith.constant 0 : i32
    %c0_i32_1 = arith.constant 0 : i32
    return %c0_i32, %c0_i32_0 : i32, i32
  }
  func.func @transform_4(%arg0: i32) -> (i32, i32) {
    %c0_i32 = arith.constant 0 : i32
    %c0_i32_0 = arith.constant 0 : i32
    %c0_i32_1 = arith.constant 0 : i32
    return %c0_i32, %c0_i32_0 : i32, i32
  }
  func.func @transform_5(%arg0: i32) -> (i32, i32) {
    %c0_i32 = arith.constant 0 : i32
    %c0_i32_0 = arith.constant 0 : i32
    return %arg0, %c0_i32 : i32, i32
  }
}

module attributes {stable_mosaic.version = 14 : i64} {
  func.func @_tc_c_body(%arg0: i32, %arg1: memref<2x1000x16xf32, #tpu.memory_space<vmem>>, %arg2: memref<1000x16xf32, #tpu.memory_space<vmem>>, %arg3: memref<2x1000x16xf32, #tpu.memory_space<vmem>>, %arg4: memref<1x16xf32, #tpu.memory_space<vmem>>, %arg5: memref<1000x16xf32, #tpu.memory_space<vmem>>) attributes {dimension_semantics = [#tpu.dimension_semantics<arbitrary>], iteration_bounds = array<i64: 10>, scalar_prefetch = 0 : i64, scratch_operands = 0 : i64, tpu.core_type = #tpu.core_type<tc>, window_params = [{transform_indices = @transform_0, window_bounds = array<i64: 2, 1000, 16>}, {transform_indices = @transform_1, window_bounds = array<i64: 1000, 16>}, {transform_indices = @transform_2, window_bounds = array<i64: 2, 1000, 16>}, {pipeline_mode = #tpu.pipeline_mode<synchronous>, transform_indices = @transform_3, window_bounds = array<i64: 1, 16>}, {transform_indices = @transform_4, window_bounds = array<i64: 1000, 16>}]} {
    %get3A = arith.constant 0 : index
    %get3A_0 = arith.constant 0 : index
    %get3A_1 = arith.constant 0 : index
    %get3A_2 = vector.load %arg3[%get3A, %get3A_0, %get3A_1] : memref<2x1000x16xf32, #tpu.memory_space<vmem>>, vector<1x1000x16xf32>
    %get3A_3 = vector.shape_cast %get3A_2 : vector<1x1000x16xf32> to vector<1000x16xf32>
    %slice3A = vector.extract_strided_slice %get3A_3 {offsets = [0, 0], sizes = [1000, 1], strides = [1, 1]} : vector<1000x16xf32> to vector<1000x1xf32>
    %get3A_4 = arith.constant 1 : index
    %get3A_5 = arith.constant 0 : index
    %get3A_6 = arith.constant 0 : index
    %get3A_7 = vector.load %arg3[%get3A_4, %get3A_5, %get3A_6] : memref<2x1000x16xf32, #tpu.memory_space<vmem>>, vector<1x1000x16xf32>
    %get3A_8 = vector.shape_cast %get3A_7 : vector<1x1000x16xf32> to vector<1000x16xf32>
    %slice3A_9 = vector.extract_strided_slice %get3A_8 {offsets = [0, 0], sizes = [1000, 1], strides = [1, 1]} : vector<1000x16xf32> to vector<1000x1xf32>
    %add3A = arith.addf %slice3A, %slice3A_9 : vector<1000x1xf32>
    %add3A_10 = arith.constant 1.000000e+00 : f32
    %add3A_11 = vector.broadcast %add3A_10 : f32 to vector<1000x1xf32>
    %add3A_12 = arith.addf %add3A, %add3A_11 : vector<1000x1xf32>
    %rsqrt3A = math.rsqrt %add3A_12 : vector<1000x1xf32>
    %get3A_13 = arith.constant 0 : index
    %get3A_14 = arith.constant 0 : index
    %get3A_15 = arith.constant 0 : index
    %get3A_16 = vector.load %arg1[%get3A_13, %get3A_14, %get3A_15] : memref<2x1000x16xf32, #tpu.memory_space<vmem>>, vector<1x1000x16xf32>
    %get3A_17 = vector.shape_cast %get3A_16 : vector<1x1000x16xf32> to vector<1000x16xf32>
    %get3A_18 = arith.constant 1 : index
    %get3A_19 = arith.constant 0 : index
    %get3A_20 = arith.constant 0 : index
    %get3A_21 = vector.load %arg1[%get3A_18, %get3A_19, %get3A_20] : memref<2x1000x16xf32, #tpu.memory_space<vmem>>, vector<1x1000x16xf32>
    %get3A_22 = vector.shape_cast %get3A_21 : vector<1x1000x16xf32> to vector<1000x16xf32>
    %add3A_23 = arith.addf %get3A_17, %get3A_22 : vector<1000x16xf32>
    %get3A_24 = arith.constant 0 : index
    %get3A_25 = arith.constant 0 : index
    %get3A_26 = vector.load %arg2[%get3A_24, %get3A_25] : memref<1000x16xf32, #tpu.memory_space<vmem>>, vector<1000x16xf32>
    %add3A_27 = arith.addf %add3A_23, %get3A_26 : vector<1000x16xf32>
    %mul3A = vector.broadcast %rsqrt3A : vector<1000x1xf32> to vector<1000x16xf32>
    %mul3A_28 = arith.mulf %add3A_27, %mul3A : vector<1000x16xf32>
    %get3A_29 = arith.constant 0 : index
    %get3A_30 = arith.constant 0 : index
    %get3A_31 = vector.load %arg4[%get3A_29, %get3A_30] : memref<1x16xf32, #tpu.memory_space<vmem>>, vector<1x16xf32>
    %add3A_32 = vector.broadcast %get3A_31 : vector<1x16xf32> to vector<1000x16xf32>
    %add3A_33 = arith.addf %mul3A_28, %add3A_32 : vector<1000x16xf32>
    %reduce_max3A = arith.constant dense<0xFF800000> : vector<1000xf32>
    %reduce_max3A_34 = vector.multi_reduction <maximumf>, %add3A_33, %reduce_max3A [1] : vector<1000x16xf32> to vector<1000xf32>
    %broadcast_in_dim3A = vector.shape_cast %reduce_max3A_34 : vector<1000xf32> to vector<1000x1xf32>
    %sub3A = vector.broadcast %broadcast_in_dim3A : vector<1000x1xf32> to vector<1000x16xf32>
    %sub3A_35 = arith.subf %add3A_33, %sub3A : vector<1000x16xf32>
    %exp3A = math.exp %sub3A_35 : vector<1000x16xf32>
    %reduce_sum3A = arith.constant dense<0.000000e+00> : vector<1000xf32>
    %reduce_sum3A_36 = vector.multi_reduction <add>, %exp3A, %reduce_sum3A [1] : vector<1000x16xf32> to vector<1000xf32>
    %broadcast_in_dim3A_37 = vector.shape_cast %reduce_sum3A_36 : vector<1000xf32> to vector<1000x1xf32>
    %sub3A_38 = vector.broadcast %broadcast_in_dim3A : vector<1000x1xf32> to vector<1000x16xf32>
    %sub3A_39 = arith.subf %add3A_33, %sub3A_38 : vector<1000x16xf32>
    %log3A = math.log %broadcast_in_dim3A_37 : vector<1000x1xf32>
    %sub3A_40 = vector.broadcast %log3A : vector<1000x1xf32> to vector<1000x16xf32>
    %sub3A_41 = arith.subf %sub3A_39, %sub3A_40 : vector<1000x16xf32>
    %swap3A = arith.constant 0 : index
    %swap3A_42 = arith.constant 0 : index
    %swap3A_43 = vector.load %arg5[%swap3A, %swap3A_42] : memref<1000x16xf32, #tpu.memory_space<vmem>>, vector<1000x16xf32>
    tpu.vector_store %arg5[%swap3A, %swap3A_42], %sub3A_41 {strides = array<i32>} : memref<1000x16xf32, #tpu.memory_space<vmem>>, vector<1000x16xf32>,
    return
  }
  func.func @transform_0(%arg0: i32) -> (i32, i32, i32) {
    %c0_i32 = arith.constant 0 : i32
    %c0_i32_0 = arith.constant 0 : i32
    %c0_i32_1 = arith.constant 0 : i32
    return %c0_i32, %arg0, %c0_i32_0 : i32, i32, i32
  }
  func.func @transform_1(%arg0: i32) -> (i32, i32) {
    %c0_i32 = arith.constant 0 : i32
    %c0_i32_0 = arith.constant 0 : i32
    return %arg0, %c0_i32 : i32, i32
  }
  func.func @transform_2(%arg0: i32) -> (i32, i32, i32) {
    %c0_i32 = arith.constant 0 : i32
    %c0_i32_0 = arith.constant 0 : i32
    %c0_i32_1 = arith.constant 0 : i32
    return %c0_i32, %arg0, %c0_i32_0 : i32, i32, i32
  }
  func.func @transform_3(%arg0: i32) -> (i32, i32) {
    %c0_i32 = arith.constant 0 : i32
    %c0_i32_0 = arith.constant 0 : i32
    %c0_i32_1 = arith.constant 0 : i32
    return %c0_i32, %c0_i32_0 : i32, i32
  }
  func.func @transform_4(%arg0: i32) -> (i32, i32) {
    %c0_i32 = arith.constant 0 : i32
    %c0_i32_0 = arith.constant 0 : i32
    return %arg0, %c0_i32 : i32, i32
  }
}

</mosaic_0001>

<sc_bundles>
// kernel: kernel.11.cloned.1.call-start
scs
__scs_entry_jumppad:
0x0: {  	(pc) =	sbr.rel $0x88, $3  }
0x1: {  	(tag) =	ssettag $0x0;
	lr =	simm.s32 $0x1  }
0x2: {  	[smem:$0x3F9B] =	sst lr;
	_ =	strace $0xD0000000  }
0x3: {  	_ = 	snop  }
0x4: {  	_ = 	snop  }
0x5: {  	_ = 	snop  }
0x6: {  	_ = 	snop  }
0x7: {  	_ = 	snop  }
__scs_overlays_trampoline_lowered:
0x8: {  	[smem:$0x3FAA] =	sst s0  }
0x9: {  	[smem:$0x3FAB] =	sst s1  }
0xa: {  	[smem:$0x3FAC] =	sst s2  }
0xb: {  	[smem:$0x3FAD] =	sst s3  }
0xc: {  	[smem:$0x3FAE] =	sst s4  }
0xd: {  	[smem:$0x3FAF] =	sst s5  }
0xe: {  	[smem:$0x3FB0] =	sst s6  }
0xf: {  	[smem:$0x3FB1] =	sst s7  }
0x10: {  	[smem:$0x3FB2] =	sst s8  }
0x11: {  	[smem:$0x3FB3] =	sst s9;
	s0 =	simm.s32 @!p0 $0x0  }
0x12: {  	s1 =	sld [smem:$0x3F99];
	s0 =	simm.s32 @p0 $0x1  }
0x13: {  	[smem:$0x3FB4] =	sst s0;
	s0 =	simm.s32 @!p1 $0x0  }
0x14: {  	s2 =	sld [smem:$0x3F98];
	s0 =	simm.s32 @p1 $0x1  }
0x15: {  	[smem:$0x3FB5] =	sst s0;
	s0 =	simm.s32 @!p2 $0x0  }
0x16: {  	s3 =	sld [smem:$0x3FDB];
	s0 =	simm.s32 @p2 $0x1  }
0x17: {  	s4 =	simm.s32 $0x1BF5;
	[smem:$0x3FB7] =	sst s0  }
0x18: {  	s0 =	sld [smem:$0x3F9A];
	_ =	swait.ge [sflag:s4], $0x0  }
0x19: {  	s7 =	sld [smem:$0x3F9B]  }
0x1a: {  	s8 =	sadd.s32 $0xFFFFE003, lr  }
0x1b: {  	s9 =	sadd.s32 $0xFFFFFEF7, lr;
	s5 =	simm.s32 $0xFFFFFFFF;
	p2 =	slt.u32 s8, $0xFFFFF086  }
0x1c: {  	p1 =	slt.u32 s9, $0xF7A;
	s5 =	simm.s32 @!p2 $0x0  }
0x1d: {  	s5 =	simm.s32 @p1 $0x1;
	p0 =	seq.s32 s7, s2  }
0x1e: {  	s7 =	smul.u32 @!p0 $0xF7A, s2;
	p2 =	seq.s32 @!p0 s5, $0x0  }
0x1f: {  	s9 =	smul.u32 $0xF7A, s1;
	s8 =	simm.s32 @!p0 $0x1BF5;
	p2 =	por !p2, p0  }
0x20: {  	[sflag:s8] =	ssyncset.s32 @!p0 $0xFFFFF086;
	s6 =	sadd.s32 @!p0 s3, s7;
	s7 =	simm.s32 @!p0 $0x108  }
0x21: {  	s3 =	sadd.s32 s3, s9;
	s6 =	sadd.s32 @!p0 $0x88, s6;
	s7 =	simm.s32 @p2 $0x1082  }
0x22: {  	[simem:s7], [sflag:s8] =	dma.local @!p0 [hbm:s6], $0xF7A  }
0x23: {  	s9 =	sor.u32 $0xD0000000, s2;
	s6 =	simm.s32 $0x108;
	_ =	swait.ge @!p0 [sflag:s8], $0x0  }
0x24: {  	s3 =	sadd.s32 $0x88, s3;
	s6 =	simm.s32 @!p1 $0x1082;
	[sflag:s4] =	ssyncset.s32 $0xFFFFF086  }
0x25: {  	[simem:s6], [sflag:s4] =	dma.local [hbm:s3], $0xF7A  }
0x26: {  	[smem:$0x3F9B] =	sst s1;
	(tag) =	ssettag s2;
	_ =	strace s9  }
0x27: {  	s1 =	sld [smem:$0x3FAB]  }
0x28: {  	s2 =	sld [smem:$0x3FAC]  }
0x29: {  	s4 =	sld [smem:$0x3FAE]  }
0x2a: {  	p0 =	seq.s32 s5, $0x0;
	s5 =	sld [smem:$0x3FAF]  }
0x2b: {  	s6 =	sld [smem:$0x3FB0]  }
0x2c: {  	s7 =	sld [smem:$0x3FB1]  }
0x2d: {  	s3 =	simm.s32 $0x108;
	s8 =	sld [smem:$0x3FB2]  }
0x2e: {  	s3 =	simm.s32 @!p0 $0x1082;
	s9 =	sld [smem:$0x3FB3]  }
0x2f: {  	lr =	sadd.s32 s0, s3;
	s0 =	sld [smem:$0x3FAA]  }
0x30: {  	s3 =	sld [smem:$0x3FAD]  }
0x31: {  	[smem:$0x3FB6] =	sst s10  }
0x32: {  	s10 =	sld [smem:$0x3FB4];
	_ =	sdelay $0x3  }
0x33: {  	p0 =	seq.s32 s10, $0x1;
	s10 =	sld [smem:$0x3FB6];
	_ =	sdelay $0x3  }
0x34: {  	[smem:$0x3FB6] =	sst s10  }
0x35: {  	s10 =	sld [smem:$0x3FB5];
	_ =	sdelay $0x3  }
0x36: {  	p1 =	seq.s32 s10, $0x1;
	s10 =	sld [smem:$0x3FB6];
	_ =	sdelay $0x3  }
0x37: {  	[smem:$0x3FB6] =	sst s10  }
0x38: {  	s10 =	sld [smem:$0x3FB7]  }
0x39: {  	_ = 	snop;
	(pc) =	sbr.ind lr, $3  }
0x3a: {  	_ = 	snop  }
0x3b: {  	_ = 	snop  }
0x3c: {  	p2 =	seq.s32 s10, $0x1;
	s10 =	sld [smem:$0x3FB6]  }
0x3d: {  	_ =	shalt  }
0x3e: {  	_ =	shalt  }
0x3f: {  	_ =	shalt  }
0x40: {  	_ =	shalt  }
0x41: {  	_ =	shalt  }
0x42: {  	_ =	shalt  }
0x43: {  	_ =	shalt  }
0x44: {  	_ =	shalt  }
0x45: {  	_ =	shalt  }
0x46: {  	_ =	shalt  }
0x47: {  	_ =	shalt  }
0x48: {  	_ =	shalt  }
0x49: {  	_ =	shalt  }
0x4a: {  	_ =	shalt  }
0x4b: {  	_ =	shalt  }
0x4c: {  	_ =	shalt  }
0x4d: {  	_ =	shalt  }
0x4e: {  	_ =	shalt  }
0x4f: {  	_ =	shalt  }
0x50: {  	_ =	shalt  }
0x51: {  	_ =	shalt  }
0x52: {  	_ =	shalt  }
0x53: {  	_ =	shalt  }
0x54: {  	_ =	shalt  }
0x55: {  	_ =	shalt  }
0x56: {  	_ =	shalt  }
0x57: {  	_ =	shalt  }
0x58: {  	_ =	shalt  }
0x59: {  	_ =	shalt  }
0x5a: {  	_ =	shalt  }
0x5b: {  	_ =	shalt  }
0x5c: {  	_ =	shalt  }
0x5d: {  	_ =	shalt  }
0x5e: {  	_ =	shalt  }
0x5f: {  	_ =	shalt  }
0x60: {  	_ =	shalt  }
0x61: {  	_ =	shalt  }
0x62: {  	_ =	shalt  }
0x63: {  	_ =	shalt  }
0x64: {  	_ =	shalt  }
0x65: {  	_ =	shalt  }
0x66: {  	_ =	shalt  }
0x67: {  	_ =	shalt  }
0x68: {  	_ =	shalt  }
0x69: {  	_ =	shalt  }
0x6a: {  	_ =	shalt  }
0x6b: {  	_ =	shalt  }
0x6c: {  	_ =	shalt  }
0x6d: {  	_ =	shalt  }
0x6e: {  	_ =	shalt  }
0x6f: {  	_ =	shalt  }
0x70: {  	_ =	shalt  }
0x71: {  	_ =	shalt  }
0x72: {  	_ =	shalt  }
0x73: {  	_ =	shalt  }
0x74: {  	_ =	shalt  }
0x75: {  	_ =	shalt  }
0x76: {  	_ =	shalt  }
0x77: {  	_ =	shalt  }
0x78: {  	_ =	shalt  }
0x79: {  	_ =	shalt  }
0x7a: {  	_ =	shalt  }
0x7b: {  	_ =	shalt  }
0x7c: {  	_ =	shalt  }
0x7d: {  	_ =	shalt  }
0x7e: {  	_ =	shalt  }
0x7f: {  	_ =	shalt  }
0x80: {  	_ =	shalt  }
0x81: {  	_ =	shalt  }
0x82: {  	_ =	shalt  }
0x83: {  	_ =	shalt  }
0x84: {  	_ =	shalt  }
0x85: {  	_ =	shalt  }
0x86: {  	_ =	shalt  }
0x87: {  	_ =	shalt  }
.Lfunc_end0:
.L_simem_size_0:
called_computation.1_lowered:
.L_overlay_start_0:
0x88: {  	s2 =	sld [smem:$0x3FD9]  }
0x89: {  	s3 =	sld [smem:$0x3FFE];
	_ =	sdelay $0x1  }
0x8a: {  	s1 =	srdreg.scid  }
0x8b: {  	s0 =	sand.u32 $0x1, s1  }
0x8c: {  	s16 =	sshll.u32 s0, $0xA;
	s2 =	sadd.s32 s3, s2  }
0x8d: {  	s2 =	sadd.s32 s2, s16  }
0x8e: {  	[smem:$0x3FC2] =	sst s2  }
0x8f: {  	_ = 	snop  }
0x90: {  	(tm) =	ssettm $0x1  }
0x91: {  	s17 =	sld [smem:$0x3FFB];
	_ =	sdelay $0x3  }
0x92: {  	_ =	strace s17  }
0x93: {  	s2 =	sld [smem:$0x3FFC];
	_ =	sdelay $0x3  }
0x94: {  	_ =	strace s2  }
0x95: {  	s2 =	sld [smem:$0x3FFD];
	_ =	sdelay $0x3  }
0x96: {  	_ =	strace s2  }
0x97: {  	_ =	strace $0x8FFFFFFF  }
0x98: {  	s18 =	sld [smem:$0x3FDB];
	_ =	sdelay $0x1  }
0x99: {  	s19 =	simm.s32 $_scs_section_size  }
0x9a: {  	s4 =	simm.s32 $_size__tile_overlayer_lowered;
	s5 =	simm.s32 $_tile_overlayer_lowered  }
0x9b: {  	s22 =	simm.s32 $0x1BFF;
	s21 =	sshll.u32 s5, $0x1;
	s2 =	sadd.s32 s19, s18  }
0x9c: {  	s6 =	simm.s32 $0x0;
	s20 =	sshll.u32 s4, $0x1;
	s4 =	sadd.s32 s21, s2  }
0x9d: {  	[timem:s6], [sflag:s22] =	dma.local [hbm:s4], s20  }
0x9e: {  	_ =	swait.ge [sflag:s22], s20  }
0x9f: {  	s3 =	ssub.s32 $0x0, s20;
	[sflag:s22] =	ssyncset.done $0x0  }
0xa0: {  	[sflag:s22] =	ssyncadd.s32 s3;
	_ =	sdelay $0x1  }
0xa1: {  	s23 =	simm.s32 $0x1B8B  }
0xa2: {  	_ =	swait.ge [sflag:s23], $0x1  }
0xa3: {  	[sflag:s23] =	ssyncset.done $0x0  }
0xa4: {  	s25 =	simm.s32 $0x1B8E;
	s24 =	sld [smem:$0x3FFE];
	[sflag:s23] =	ssyncadd.s32 $0xFFFFFFFF  }
0xa5: {  	s26 =	simm.s32 $execute0_lowered;
	[smem:$0x3FD2] =	sst s25  }
0xa6: {  	s4 =	sshll.u32 s26, $0x1;
	_ =	strace $0x80000049;
	[dreg:$0x1] =	wrdreg $0xFFFFFFFF  }
0xa7: {  	s28 =	simm.s32 $_size_execute0_lowered;
	s2 =	sadd.s32 s2, s4;
	[dreg:$0x0] =	wrdreg $0x0  }
0xa8: {  	s4 =	sshll.u32 s28, $0x1;
	[dreg:$0x2] =	wrdreg s2  }
0xa9: {  	[dreg:$0x3] =	wrdreg s4  }
0xaa: {  	[dreg:$0x4] =	wrdreg $0xC0  }
0xab: {  	_ =	task [dreg:s6], $0x5FFFF  }
0xac: {  	[dreg:$0x1] =	wrdreg $0xFFFFFFFF  }
0xad: {  	[dreg:$0x0] =	wrdreg $0x60  }
0xae: {  	[dreg:$0x2] =	wrdreg s24  }
0xaf: {  	[dreg:$0x3] =	wrdreg $0x90000  }
0xb0: {  	[dreg:$0x4] =	wrdreg $0x9  }
0xb1: {  	_ =	task.clear_ibuf [dreg:s6], $0x5FFFF;
	_ =	strace $0x90000049  }
0xb2: {  	s29 =	simm.s32 $0x9;
	_ =	strace $0x8000004B  }
0xb3: {  	_ =	swait.ge [sflag:s29], $0x1  }
0xb4: {  	[sflag:s29] =	ssyncadd.s32 $0xFFFFFFFF  }
0xb5: {  	_ =	strace $0x9000004B  }
0xb6: {  	_ =	sfence  }
0xb7: {  	s30 =	sld [smem:$0x0];
	_ =	sdelay $0x2  }
0xb8: {  	s31 =	sshll.u32 s1, $0xD;
	s1 =	sshrl.u32 s1, $0x2  }
0xb9: {  	s3 =	sand.u32 $0x4000, s31;
	s1 =	sadd.s32 s1, s30  }
0xba: {  	s0 =	sor.u32 s3, s0;
	s1 =	sshll.u32 s1, $0x11  }
0xbb: {  	s0 =	sor.u32 s1, s0  }
0xbc: {  	s0 =	sadd.s32 $0x8F2B, s0  }
0xbd: {  	[sflag:s0] =	ssyncadd.remote.s32 $0x1  }
0xbe: {  	_ =	sfence.sel $0xFFFF  }
0xbf: {  	[dreg:$0x0] =	wrdreg $0xFFFFFFFF;
	(pc) =	sbr.abs _section_cstart, $3  }
0xc0: {  	[dreg:$0x1] =	wrdreg $0xFFFFFFFF  }
0xc1: {  	_ =	task.clear_ibuf [dreg:s6], $0x2FFFF;
	_ =	strace $0x9FFFFFFF  }
0xc2: {  	(tm) =	ssettm $0x7FFFFFFF  }
0xc3: {  	_ =	shalt  }
tec
execute0_lowered:
.L_overlay_start_1:
0x0: {  	(tag) =	ssettag $0x1  }
0x1: {  	s5 =	rddreg [dreg:$0x0]  }
0x2: {  	s2 =	rddreg [dreg:$0x1];
	s3 =	srdreg.scid  }
0x3: {  	s0 =	rddreg [dreg:$0x2];
	s1 =	stileid.u32  }
0x4: {  	s14 =	simm.s32 $0x7000;
	s15 =	simm.s32 $0x1;
	s16 =	simm.s32 $0x2800  }
0x5: {  	s17 =	simm.s32 $0x80;
	s18 =	simm.s32 $0x5000;
	s7 =	smul.u32 $0xA000, s1  }
0x6: {  	s6 =	sand.u32 $0x1, s3;
	s3 =	simm.s32 $0x0;
	s10 =	smul.u32 $0x28000, s1  }
0x7: {  	s19 =	sshll.u32 s1, $0x6;
	s4 =	sshll.u32 s6, $0x4;
	[smem:$0x7FF] =	sst s3  }
0x8: {  	s8 =	smul.u32 $0xA0000, s6;
	s6 =	ssub.s32 $0x2, s6;
	s19 =	sor.u32 $0x1C01, s19  }
0x9: {  	s4 =	sor.u32 s1, s4;
	_ =	strace $0x8000004A;
	s29 =	sshrl.u32 s6, $0x1  }
0xa: {  	s30 =	sshrl.u32 s10, $0x2;
	s9 =	smul.u32 $0x500, s4;
	s4 =	sadd.s32 $0x96C00, s5  }
0xb: {  	s8 =	sadd.s32 s7, s8;
	s13 =	ssub.s32 s6, s29;
	s31 =	sadd.s32 s30, s2  }
0xc: {  	s8 =	sshrl.u32 s8, $0x3;
	s6 =	sadd.s32 $0x2000, s31;
	s13 =	smax.u32 s13, $0x1  }
0xd: {  	s11 =	sadd.s32 s9, s5;
	s12 =	sadd.s32 s8, s5;
	s5 =	sadd.s32 s7, s2  }
0xe: {  	s7 =	sadd.s32 $0x4000, s31;
	s8 =	sadd.s32 $0x6000, s31;
	s9 =	sadd.s32 $0x8000, s31  }
0xf: {  	v0 =	vimm.f32 $0.0e+00;
	s10 =	sadd.s32 $0x15A00, s11;
	s11 =	sadd.s32 $0x1A00, s11;
	s12 =	sadd.s32 $0xAA600, s12  }
.LBB2_1:
0x10: {  	s21 =	simm.s32 $0x100;
	s20 =	simm.s32 $0x0  }
.LBB2_2:
0x11: {  	p0 =	sne.s32 s21, $0x7F00;
	[tilespmem:s20+$0x7030] =	vst v0;
	s22 =	smov.u32 s21;
	s21 =	sadd.s32 $0x100, s21  }
.Ltmp0:
0x12: {  	[tilespmem:s20+$0x7020] =	vst v0;
	(pc) =	sbr.rel @p0 .LBB2_2-.Ltmp0, $3  }
0x13: {  	[tilespmem:s20+$0x7000] =	vst v0  }
0x14: {  	[tilespmem:s20+$0x7010] =	vst v0;
	_ =	sdelay $0x1  }
0x15: {  	s20 =	sshra.s32 s22, $0x2  }
0x16: {  	[tilespmem:s20+$0x7030] =	vst v0  }
0x17: {  	[tilespmem:s20+$0x7020] =	vst v0  }
0x18: {  	[tilespmem:s20+$0x7000] =	vst v0  }
0x19: {  	[tilespmem:s20+$0x7010] =	vst v0  }
0x1a: {  	[spmem:s5] =	stream.linear.scatter [tilespmem:s14], [sflag:$0x1], $0x2000, $0x38;
	[tilespmem:$0x13000] =	vst v63  }
0x1b: {  	_ =	swait.ge [sflag:s15], $0x2000  }
0x1c: {  	[sflag:s15] =	ssyncset.done $0x0  }
0x1d: {  	[sflag:s15] =	ssyncadd.s32 $0xFFFFE000  }
0x1e: {  	[spmem:s6] =	stream.linear.scatter [tilespmem:s14], [sflag:$0x1], $0x2000, $0x38;
	[tilespmem:$0x13000] =	vst v63  }
0x1f: {  	_ =	swait.ge [sflag:s15], $0x2000  }
0x20: {  	[sflag:s15] =	ssyncset.done $0x0  }
0x21: {  	[sflag:s15] =	ssyncadd.s32 $0xFFFFE000  }
0x22: {  	[spmem:s7] =	stream.linear.scatter [tilespmem:s14], [sflag:$0x1], $0x2000, $0x38;
	[tilespmem:$0x13000] =	vst v63  }
0x23: {  	_ =	swait.ge [sflag:s15], $0x2000  }
0x24: {  	[sflag:s15] =	ssyncset.done $0x0  }
0x25: {  	[sflag:s15] =	ssyncadd.s32 $0xFFFFE000  }
0x26: {  	[spmem:s8] =	stream.linear.scatter [tilespmem:s14], [sflag:$0x1], $0x2000, $0x38;
	[tilespmem:$0x13000] =	vst v63  }
0x27: {  	_ =	swait.ge [sflag:s15], $0x2000  }
0x28: {  	[sflag:s15] =	ssyncset.done $0x0  }
0x29: {  	[sflag:s15] =	ssyncadd.s32 $0xFFFFE000  }
0x2a: {  	[spmem:s9] =	stream.linear.scatter [tilespmem:s14], [sflag:$0x1], $0x2000, $0x38;
	[tilespmem:$0x13000] =	vst v63  }
0x2b: {  	_ =	swait.ge [sflag:s15], $0x2000  }
0x2c: {  	[sflag:s15] =	ssyncset.done $0x0  }
0x2d: {  	[sflag:s15] =	ssyncadd.s32 $0xFFFFE000  }
0x2e: {  	s29 =	simm.s32 $0x0;
	[bflag:$0x0] =	sbarrier.arrive $0xFFFF  }
0x2f: {  	[tilespmem:s29], [sflag:$0x1] =	stream.linear.gather [hbm4b:s10+s29], $0x2800, $0x38;
	[tilespmem:$0x13000] =	vst v63  }
0x30: {  	_ =	swait.ge [sflag:s15], $0x2800  }
0x31: {  	[sflag:s15] =	ssyncset.done $0x0  }
0x32: {  	[sflag:s15] =	ssyncadd.s32 $0xFFFFD800  }
0x33: {  	[tilespmem:s16], [sflag:$0x1] =	stream.linear.gather [hbm4b:s11+s29], $0x2800, $0x38;
	[tilespmem:$0x13000] =	vst v63  }
0x34: {  	_ =	swait.ge [sflag:s15], $0x2800  }
0x35: {  	[sflag:s15] =	ssyncset.done $0x0  }
0x36: {  	s30 =	simm.s32 $0x0;
	[sflag:s15] =	ssyncadd.s32 $0xFFFFD800  }
0x37: {  	[tilespmem:s18], [sflag:$0x1] =	stream.indirect.gather [hbm4b:s4+s17], $0x40, s30, s17, $0xb8;
	[tilespmem:$0x13000] =	vst v63  }
0x38: {  	_ =	swait.ge [sflag:s15], $0x2000  }
0x39: {  	[sflag:s15] =	ssyncset.done $0x0  }
0x3a: {  	s31 =	simm.s32 $0x2800;
	[sflag:s15] =	ssyncadd.s32 $0xFFFFE000  }
0x3b: {  	[spmem:s2] =	stream.indirect.scatter.add.f32 [tilespmem:s18], [sflag:$0x1], $0x40, s31, s17, $0xb8;
	[tilespmem:$0x13000] =	vst v63  }
0x3c: {  	_ =	swait.ge [sflag:s15], $0x2000  }
0x3d: {  	s20 =	simm.s32 $0x200;
	s21 =	simm.s32 $0x400;
	[sflag:s15] =	ssyncset.done $0x0  }
.LBB2_4:
0x3e: {  	s22 =	sshra.s32 s20, $0x2  }
0x3f: {  	[sflag:s15] =	ssyncadd.s32 $0xFFFFE000;
	s20 =	smov.u32 s21;
	s23 =	sadd.s32 $0x200, s21  }
0x40: {  	[tilespmem:s18], [sflag:$0x1] =	stream.indirect.gather [hbm4b:s4+s17], $0x40, s22, s17, $0xb8;
	[tilespmem:$0x13000] =	vst v63  }
0x41: {  	p0 =	sne.s32 s21, $0x9E00;
	_ =	swait.ge [sflag:s15], $0x2000  }
.Ltmp1:
0x42: {  	[sflag:s15] =	ssyncset.done $0x0;
	(pc) =	sbr.rel @p0 .LBB2_4-.Ltmp1, $4  }
0x43: {  	s21 =	sadd.s32 $0x2800, s22;
	[sflag:s15] =	ssyncadd.s32 $0xFFFFE000  }
0x44: {  	[spmem:s2] =	stream.indirect.scatter.add.f32 [tilespmem:s18], [sflag:$0x1], $0x40, s21, s17, $0xb8;
	[tilespmem:$0x13000] =	vst v63  }
0x45: {  	_ =	swait.ge [sflag:s15], $0x2000  }
0x46: {  	s21 =	smov.u32 s23;
	[sflag:s15] =	ssyncset.done $0x0  }
0x47: {  	s20 =	sshra.s32 s20, $0x2;
	[sflag:s15] =	ssyncadd.s32 $0xFFFFE000  }
0x48: {  	[tilespmem:s18], [sflag:$0x1] =	stream.indirect.gather [hbm4b:s4+s17], $0x40, s20, s17, $0xb8;
	[tilespmem:$0x13000] =	vst v63  }
0x49: {  	_ =	swait.ge [sflag:s15], $0x2000  }
0x4a: {  	[sflag:s15] =	ssyncset.done $0x0  }
0x4b: {  	s20 =	sadd.s32 $0x2800, s20;
	[sflag:s15] =	ssyncadd.s32 $0xFFFFE000  }
0x4c: {  	[spmem:s2] =	stream.indirect.scatter.add.f32 [tilespmem:s18], [sflag:$0x1], $0x40, s20, s17, $0xb8;
	[tilespmem:$0x13000] =	vst v63  }
0x4d: {  	_ =	swait.ge [sflag:s15], $0x2000  }
0x4e: {  	s3 =	sadd.s32 $0x1, s3;
	[sflag:s15] =	ssyncset.done $0x0  }
0x4f: {  	p0 =	sne.s32 s3, s13;
	[sflag:s15] =	ssyncadd.s32 $0xFFFFE000  }
.Ltmp2:
0x50: {  	s31 =	sshrl.u32 s5, $0x3;
	[bflag:$0x0] =	sbarrier.arrive $0xFFFF;
	(pc) =	sbr.rel @p0 .LBB2_1-.Ltmp2, $4  }
0x51: {  	[hbm:s12], [sflag:s19] =	dma.local [spmem:s31], $0x1400  }
0x52: {  	_ =	swait.ge [sflag:s15], $0x1400  }
0x53: {  	[sflag:s15] =	ssyncset.done $0x0  }
0x54: {  	[sflag:s15] =	ssyncadd.s32 $0xFFFFEC00  }
0x55: {  	_ =	sfence.sel $0x180000  }
0x56: {  	[bflag:$0x0] =	sbarrier.arrive $0xFFFF  }
0x57: {  	p0 =	sne.s32 s1, $0x0;
	_ =	strace $0x9000004A  }
0x58: {  	s0 =	sadd.s32 @!p0 $0x100000, s0;
	[bflag:$0x2] =	sbarrier.arrive $0xFFFF  }
0x59: {  	[sflag:s0] =	ssyncadd.tile.s32 @!p0 $0x1;
	_ =	shalt  }
.Lfunc_end2:
_tile_overlayer_lowered:
.L_overlay_start_2:
0x5a: {  	(tag) =	ssettag $0x2  }
0x5b: {  	s0 =	rddreg [dreg:$0x0];
	s2 =	stileid.u32  }
0x5c: {  	s1 =	rddreg [dreg:$0x1];
	p0 =	sne.s32 s2, $0x0  }
0x5d: {  	s3 =	rddreg [dreg:$0x2];
	[bflag:$0x3] =	sbarrier.arrive $0xFFFF;
	s2 =	simm.s32 @!p0 $0x1C01  }
0x5e: {  	[timem:s3], [sflag:s2] =	dma.local @!p0 [hbm:s0], s1  }
0x5f: {  	s0 =	simm.s32 @!p0 $0x1  }
0x60: {  	_ =	swait.ge @!p0 [sflag:s0], s1  }
0x61: {  	s1 =	ssub.s32 @!p0 $0x0, s1;
	[sflag:s0] =	ssyncset.done @!p0 $0x0  }
0x62: {  	[sflag:s0] =	ssyncadd.s32 @!p0 s1  }
0x63: {  	[bflag:$0x3] =	sbarrier.arrive $0xFFFF  }
0x64: {  	_ =	shalt  }

// kernel: kernel.14.cloned.1.call-start
scs
__scs_entry_jumppad:
0x0: {  	(pc) =	sbr.rel $0x88, $3  }
0x1: {  	(tag) =	ssettag $0x0;
	lr =	simm.s32 $0x1  }
0x2: {  	[smem:$0x3F9B] =	sst lr;
	_ =	strace $0xD0000000  }
0x3: {  	_ = 	snop  }
0x4: {  	_ = 	snop  }
0x5: {  	_ = 	snop  }
0x6: {  	_ = 	snop  }
0x7: {  	_ = 	snop  }
__scs_overlays_trampoline_lowered:
0x8: {  	[smem:$0x3FAA] =	sst s0  }
0x9: {  	[smem:$0x3FAB] =	sst s1  }
0xa: {  	[smem:$0x3FAC] =	sst s2  }
0xb: {  	[smem:$0x3FAD] =	sst s3  }
0xc: {  	[smem:$0x3FAE] =	sst s4  }
0xd: {  	[smem:$0x3FAF] =	sst s5  }
0xe: {  	[smem:$0x3FB0] =	sst s6  }
0xf: {  	[smem:$0x3FB1] =	sst s7  }
0x10: {  	[smem:$0x3FB2] =	sst s8  }
0x11: {  	[smem:$0x3FB3] =	sst s9;
	s0 =	simm.s32 @!p0 $0x0  }
0x12: {  	s1 =	sld [smem:$0x3F99];
	s0 =	simm.s32 @p0 $0x1  }
0x13: {  	[smem:$0x3FB4] =	sst s0;
	s0 =	simm.s32 @!p1 $0x0  }
0x14: {  	s2 =	sld [smem:$0x3F98];
	s0 =	simm.s32 @p1 $0x1  }
0x15: {  	[smem:$0x3FB5] =	sst s0;
	s0 =	simm.s32 @!p2 $0x0  }
0x16: {  	s3 =	sld [smem:$0x3FDB];
	s0 =	simm.s32 @p2 $0x1  }
0x17: {  	s4 =	simm.s32 $0x1BF5;
	[smem:$0x3FB7] =	sst s0  }
0x18: {  	s0 =	sld [smem:$0x3F9A];
	_ =	swait.ge [sflag:s4], $0x0  }
0x19: {  	s7 =	sld [smem:$0x3F9B]  }
0x1a: {  	s8 =	sadd.s32 $0xFFFFE003, lr  }
0x1b: {  	s9 =	sadd.s32 $0xFFFFFEF7, lr;
	s5 =	simm.s32 $0xFFFFFFFF;
	p2 =	slt.u32 s8, $0xFFFFF086  }
0x1c: {  	p1 =	slt.u32 s9, $0xF7A;
	s5 =	simm.s32 @!p2 $0x0  }
0x1d: {  	s5 =	simm.s32 @p1 $0x1;
	p0 =	seq.s32 s7, s2  }
0x1e: {  	s7 =	smul.u32 @!p0 $0xF7A, s2;
	p2 =	seq.s32 @!p0 s5, $0x0  }
0x1f: {  	s9 =	smul.u32 $0xF7A, s1;
	s8 =	simm.s32 @!p0 $0x1BF5;
	p2 =	por !p2, p0  }
0x20: {  	[sflag:s8] =	ssyncset.s32 @!p0 $0xFFFFF086;
	s6 =	sadd.s32 @!p0 s3, s7;
	s7 =	simm.s32 @!p0 $0x108  }
0x21: {  	s3 =	sadd.s32 s3, s9;
	s6 =	sadd.s32 @!p0 $0x88, s6;
	s7 =	simm.s32 @p2 $0x1082  }
0x22: {  	[simem:s7], [sflag:s8] =	dma.local @!p0 [hbm:s6], $0xF7A  }
0x23: {  	s9 =	sor.u32 $0xD0000000, s2;
	s6 =	simm.s32 $0x108;
	_ =	swait.ge @!p0 [sflag:s8], $0x0  }
0x24: {  	s3 =	sadd.s32 $0x88, s3;
	s6 =	simm.s32 @!p1 $0x1082;
	[sflag:s4] =	ssyncset.s32 $0xFFFFF086  }
0x25: {  	[simem:s6], [sflag:s4] =	dma.local [hbm:s3], $0xF7A  }
0x26: {  	[smem:$0x3F9B] =	sst s1;
	(tag) =	ssettag s2;
	_ =	strace s9  }
0x27: {  	s1 =	sld [smem:$0x3FAB]  }
0x28: {  	s2 =	sld [smem:$0x3FAC]  }
0x29: {  	s4 =	sld [smem:$0x3FAE]  }
0x2a: {  	p0 =	seq.s32 s5, $0x0;
	s5 =	sld [smem:$0x3FAF]  }
0x2b: {  	s6 =	sld [smem:$0x3FB0]  }
0x2c: {  	s7 =	sld [smem:$0x3FB1]  }
0x2d: {  	s3 =	simm.s32 $0x108;
	s8 =	sld [smem:$0x3FB2]  }
0x2e: {  	s3 =	simm.s32 @!p0 $0x1082;
	s9 =	sld [smem:$0x3FB3]  }
0x2f: {  	lr =	sadd.s32 s0, s3;
	s0 =	sld [smem:$0x3FAA]  }
0x30: {  	s3 =	sld [smem:$0x3FAD]  }
0x31: {  	[smem:$0x3FB6] =	sst s10  }
0x32: {  	s10 =	sld [smem:$0x3FB4];
	_ =	sdelay $0x3  }
0x33: {  	p0 =	seq.s32 s10, $0x1;
	s10 =	sld [smem:$0x3FB6];
	_ =	sdelay $0x3  }
0x34: {  	[smem:$0x3FB6] =	sst s10  }
0x35: {  	s10 =	sld [smem:$0x3FB5];
	_ =	sdelay $0x3  }
0x36: {  	p1 =	seq.s32 s10, $0x1;
	s10 =	sld [smem:$0x3FB6];
	_ =	sdelay $0x3  }
0x37: {  	[smem:$0x3FB6] =	sst s10  }
0x38: {  	s10 =	sld [smem:$0x3FB7]  }
0x39: {  	_ = 	snop;
	(pc) =	sbr.ind lr, $3  }
0x3a: {  	_ = 	snop  }
0x3b: {  	_ = 	snop  }
0x3c: {  	p2 =	seq.s32 s10, $0x1;
	s10 =	sld [smem:$0x3FB6]  }
0x3d: {  	_ =	shalt  }
0x3e: {  	_ =	shalt  }
0x3f: {  	_ =	shalt  }
0x40: {  	_ =	shalt  }
0x41: {  	_ =	shalt  }
0x42: {  	_ =	shalt  }
0x43: {  	_ =	shalt  }
0x44: {  	_ =	shalt  }
0x45: {  	_ =	shalt  }
0x46: {  	_ =	shalt  }
0x47: {  	_ =	shalt  }
0x48: {  	_ =	shalt  }
0x49: {  	_ =	shalt  }
0x4a: {  	_ =	shalt  }
0x4b: {  	_ =	shalt  }
0x4c: {  	_ =	shalt  }
0x4d: {  	_ =	shalt  }
0x4e: {  	_ =	shalt  }
0x4f: {  	_ =	shalt  }
0x50: {  	_ =	shalt  }
0x51: {  	_ =	shalt  }
0x52: {  	_ =	shalt  }
0x53: {  	_ =	shalt  }
0x54: {  	_ =	shalt  }
0x55: {  	_ =	shalt  }
0x56: {  	_ =	shalt  }
0x57: {  	_ =	shalt  }
0x58: {  	_ =	shalt  }
0x59: {  	_ =	shalt  }
0x5a: {  	_ =	shalt  }
0x5b: {  	_ =	shalt  }
0x5c: {  	_ =	shalt  }
0x5d: {  	_ =	shalt  }
0x5e: {  	_ =	shalt  }
0x5f: {  	_ =	shalt  }
0x60: {  	_ =	shalt  }
0x61: {  	_ =	shalt  }
0x62: {  	_ =	shalt  }
0x63: {  	_ =	shalt  }
0x64: {  	_ =	shalt  }
0x65: {  	_ =	shalt  }
0x66: {  	_ =	shalt  }
0x67: {  	_ =	shalt  }
0x68: {  	_ =	shalt  }
0x69: {  	_ =	shalt  }
0x6a: {  	_ =	shalt  }
0x6b: {  	_ =	shalt  }
0x6c: {  	_ =	shalt  }
0x6d: {  	_ =	shalt  }
0x6e: {  	_ =	shalt  }
0x6f: {  	_ =	shalt  }
0x70: {  	_ =	shalt  }
0x71: {  	_ =	shalt  }
0x72: {  	_ =	shalt  }
0x73: {  	_ =	shalt  }
0x74: {  	_ =	shalt  }
0x75: {  	_ =	shalt  }
0x76: {  	_ =	shalt  }
0x77: {  	_ =	shalt  }
0x78: {  	_ =	shalt  }
0x79: {  	_ =	shalt  }
0x7a: {  	_ =	shalt  }
0x7b: {  	_ =	shalt  }
0x7c: {  	_ =	shalt  }
0x7d: {  	_ =	shalt  }
0x7e: {  	_ =	shalt  }
0x7f: {  	_ =	shalt  }
0x80: {  	_ =	shalt  }
0x81: {  	_ =	shalt  }
0x82: {  	_ =	shalt  }
0x83: {  	_ =	shalt  }
0x84: {  	_ =	shalt  }
0x85: {  	_ =	shalt  }
0x86: {  	_ =	shalt  }
0x87: {  	_ =	shalt  }
.Lfunc_end0:
.L_simem_size_0:
called_computation.2_lowered:
.L_overlay_start_0:
0x88: {  	s2 =	sld [smem:$0x3FD9]  }
0x89: {  	s3 =	sld [smem:$0x3FFE];
	_ =	sdelay $0x1  }
0x8a: {  	s1 =	srdreg.scid  }
0x8b: {  	s0 =	sand.u32 $0x1, s1  }
0x8c: {  	s17 =	sshll.u32 s0, $0xA;
	s2 =	sadd.s32 s3, s2  }
0x8d: {  	s2 =	sadd.s32 s2, s17  }
0x8e: {  	[smem:$0x3FC2] =	sst s2  }
0x8f: {  	_ = 	snop  }
0x90: {  	s2 =	sld [smem:$0x3FD0];
	(tm) =	ssettm $0x1  }
0x91: {  	s18 =	sld [smem:$0x3FFB];
	_ =	sdelay $0x3  }
0x92: {  	_ =	strace s18  }
0x93: {  	s3 =	sld [smem:$0x3FFC];
	_ =	sdelay $0x3  }
0x94: {  	_ =	strace s3  }
0x95: {  	s3 =	sld [smem:$0x3FFD];
	_ =	sdelay $0x3  }
0x96: {  	_ =	strace s3  }
0x97: {  	_ =	strace $0x8FFFFFFF  }
0x98: {  	s19 =	sld [smem:$0x3FDB];
	_ =	sdelay $0x1  }
0x99: {  	s4 =	simm.s32 $_scs_section_size  }
0x9a: {  	s5 =	simm.s32 $_size__tile_overlayer_lowered;
	s6 =	simm.s32 $_tile_overlayer_lowered  }
0x9b: {  	s22 =	simm.s32 $0x1BFF;
	s21 =	sshll.u32 s6, $0x1;
	s3 =	sadd.s32 s4, s19  }
0x9c: {  	s7 =	simm.s32 $0x0;
	s20 =	sshll.u32 s5, $0x1;
	s5 =	sadd.s32 s21, s3  }
0x9d: {  	[timem:s7], [sflag:s22] =	dma.local [hbm:s5], s20  }
0x9e: {  	_ =	swait.ge [sflag:s22], s20  }
0x9f: {  	s4 =	ssub.s32 $0x0, s20;
	[sflag:s22] =	ssyncset.done $0x0  }
0xa0: {  	[sflag:s22] =	ssyncadd.s32 s4;
	_ =	sdelay $0x1  }
0xa1: {  	s23 =	simm.s32 $0x1B8B  }
0xa2: {  	_ =	swait.ge [sflag:s23], $0x1  }
0xa3: {  	[sflag:s23] =	ssyncset.done $0x0  }
0xa4: {  	s25 =	simm.s32 $0x1B8E;
	s24 =	sld [smem:$0x3FFE];
	[sflag:s23] =	ssyncadd.s32 $0xFFFFFFFF  }
0xa5: {  	s26 =	simm.s32 $execute0_lowered;
	[smem:$0x3FD2] =	sst s25  }
0xa6: {  	s5 =	sshll.u32 s26, $0x1;
	_ =	strace $0x8000004C;
	[dreg:$0x1] =	wrdreg $0xFFFFFFFF  }
0xa7: {  	s28 =	simm.s32 $_size_execute0_lowered;
	s3 =	sadd.s32 s3, s5;
	[dreg:$0x0] =	wrdreg $0x0  }
0xa8: {  	s5 =	sshll.u32 s28, $0x1;
	[dreg:$0x2] =	wrdreg s3  }
0xa9: {  	[dreg:$0x3] =	wrdreg s5  }
0xaa: {  	[dreg:$0x4] =	wrdreg $0xC0  }
0xab: {  	_ =	task [dreg:s7], $0x5FFFF  }
0xac: {  	[dreg:$0x1] =	wrdreg $0xFFFFFFFF  }
0xad: {  	[dreg:$0x0] =	wrdreg $0x60  }
0xae: {  	[dreg:$0x2] =	wrdreg s2  }
0xaf: {  	[dreg:$0x3] =	wrdreg s24  }
0xb0: {  	[dreg:$0x4] =	wrdreg $0x60000  }
0xb1: {  	[dreg:$0x5] =	wrdreg $0x9  }
0xb2: {  	_ =	task.clear_ibuf [dreg:s7], $0x6FFFF;
	_ =	strace $0x9000004C  }
0xb3: {  	s29 =	simm.s32 $0x9;
	_ =	strace $0x8000004E  }
0xb4: {  	_ =	swait.ge [sflag:s29], $0x1  }
0xb5: {  	[sflag:s29] =	ssyncadd.s32 $0xFFFFFFFF  }
0xb6: {  	_ =	strace $0x9000004E  }
0xb7: {  	_ =	sfence  }
0xb8: {  	s30 =	sld [smem:$0x0];
	_ =	sdelay $0x2  }
0xb9: {  	s31 =	sshll.u32 s1, $0xD;
	s1 =	sshrl.u32 s1, $0x2  }
0xba: {  	s3 =	sand.u32 $0x4000, s31;
	s1 =	sadd.s32 s1, s30  }
0xbb: {  	s0 =	sor.u32 s3, s0;
	s1 =	sshll.u32 s1, $0x11  }
0xbc: {  	s0 =	sor.u32 s1, s0  }
0xbd: {  	s0 =	sadd.s32 $0x8F2B, s0  }
0xbe: {  	[sflag:s0] =	ssyncadd.remote.s32 $0x1  }
0xbf: {  	_ =	sfence.sel $0xFFFF  }
0xc0: {  	[dreg:$0x0] =	wrdreg $0xFFFFFFFF;
	(pc) =	sbr.abs _section_cstart, $3  }
0xc1: {  	[dreg:$0x1] =	wrdreg $0xFFFFFFFF  }
0xc2: {  	_ =	task.clear_ibuf [dreg:s7], $0x2FFFF;
	_ =	strace $0x9FFFFFFF  }
0xc3: {  	(tm) =	ssettm $0x7FFFFFFF  }
tec
execute0_lowered:
.L_overlay_start_1:
0x0: {  	(tag) =	ssettag $0x1  }
0x1: {  	s2 =	rddreg [dreg:$0x0]  }
0x2: {  	s0 =	srdreg.scid;
	s6 =	rddreg [dreg:$0x1]  }
0x3: {  	s3 =	rddreg [dreg:$0x2];
	s4 =	simm.s32 $0x0;
	s14 =	simm.s32 $0x5800  }
0x4: {  	s15 =	simm.s32 $0x1;
	s5 =	sand.u32 $0x1, s0;
	s0 =	stileid.u32  }
0x5: {  	s16 =	simm.s32 $0x2800;
	s17 =	simm.s32 $0x80;
	s8 =	smul.u32 $0x2800, s0  }
0x6: {  	s18 =	simm.s32 $0x5000;
	[smem:$0x7FF] =	sst s4;
	s9 =	smul.u32 $0x28000, s5  }
0x7: {  	s1 =	sshll.u32 s5, $0x4;
	s10 =	smul.u32 $0xA000, s0;
	s5 =	ssub.s32 $0x2, s5  }
0x8: {  	s19 =	sshll.u32 s0, $0x6;
	s1 =	sor.u32 s0, s1;
	s31 =	sshrl.u32 s5, $0x1  }
0x9: {  	s19 =	sor.u32 $0x1C01, s19;
	s7 =	smul.u32 $0x500, s1;
	s1 =	rddreg [dreg:$0x3]  }
0xa: {  	_ =	strace $0x8000004D;
	s29 =	sadd.s32 s8, s9;
	s30 =	sshrl.u32 s10, $0x2  }
0xb: {  	s13 =	ssub.s32 s5, s31;
	s5 =	sadd.s32 s8, s3;
	s9 =	sadd.s32 s30, s3  }
0xc: {  	s13 =	smax.u32 s13, $0x1;
	s11 =	sadd.s32 s7, s6;
	s7 =	sshrl.u32 s29, $0x3  }
0xd: {  	s20 =	sshrl.u32 s5, $0x3;
	s8 =	sadd.s32 $0x1800, s9;
	s12 =	sadd.s32 s7, s6  }
0xe: {  	s6 =	sadd.s32 $0x800, s9;
	s7 =	sadd.s32 $0x1000, s9;
	s9 =	sadd.s32 $0x2000, s9  }
0xf: {  	v0 =	vimm.f32 $0.0e+00;
	s10 =	sadd.s32 $0x15A00, s11;
	s11 =	sadd.s32 $0x1A00, s11;
	s12 =	sadd.s32 $0xBA00, s12  }
.LBB2_1:
0x10: {  	s21 =	simm.s32 $0x40;
	s22 =	simm.s32 $0x0  }
.LBB2_2:
0x11: {  	p0 =	sne.s32 s21, $0x1FC0;
	[tilespmem:s22+$0x5800] =	vst v0;
	s22 =	smov.u32 s21;
	s21 =	sadd.s32 $0x40, s21  }
.Ltmp0:
0x12: {  	(pc) =	sbr.rel @p0 .LBB2_2-.Ltmp0, $2  }
0x13: {  	_ =	sdelay $0x2  }
0x14: {  	s22 =	sshra.s32 s22, $0x2  }
0x15: {  	[tilespmem:s22+$0x5800] =	vst v0  }
0x16: {  	[spmem:s5] =	stream.linear.scatter [tilespmem:s14], [sflag:$0x1], $0x800, $0x38;
	[tilespmem:$0x8800] =	vst v63  }
0x17: {  	_ =	swait.ge [sflag:s15], $0x800  }
0x18: {  	[sflag:s15] =	ssyncset.done $0x0  }
0x19: {  	[sflag:s15] =	ssyncadd.s32 $0xFFFFF800  }
0x1a: {  	[spmem:s6] =	stream.linear.scatter [tilespmem:s14], [sflag:$0x1], $0x800, $0x38;
	[tilespmem:$0x8800] =	vst v63  }
0x1b: {  	_ =	swait.ge [sflag:s15], $0x800  }
0x1c: {  	[sflag:s15] =	ssyncset.done $0x0  }
0x1d: {  	[sflag:s15] =	ssyncadd.s32 $0xFFFFF800  }
0x1e: {  	[spmem:s7] =	stream.linear.scatter [tilespmem:s14], [sflag:$0x1], $0x800, $0x38;
	[tilespmem:$0x8800] =	vst v63  }
0x1f: {  	_ =	swait.ge [sflag:s15], $0x800  }
0x20: {  	[sflag:s15] =	ssyncset.done $0x0  }
0x21: {  	[sflag:s15] =	ssyncadd.s32 $0xFFFFF800  }
0x22: {  	[spmem:s8] =	stream.linear.scatter [tilespmem:s14], [sflag:$0x1], $0x800, $0x38;
	[tilespmem:$0x8800] =	vst v63  }
0x23: {  	_ =	swait.ge [sflag:s15], $0x800  }
0x24: {  	[sflag:s15] =	ssyncset.done $0x0  }
0x25: {  	[sflag:s15] =	ssyncadd.s32 $0xFFFFF800  }
0x26: {  	[spmem:s9] =	stream.linear.scatter [tilespmem:s14], [sflag:$0x1], $0x800, $0x38;
	[tilespmem:$0x8800] =	vst v63  }
0x27: {  	_ =	swait.ge [sflag:s15], $0x800  }
0x28: {  	[sflag:s15] =	ssyncset.done $0x0  }
0x29: {  	[sflag:s15] =	ssyncadd.s32 $0xFFFFF800  }
0x2a: {  	s21 =	simm.s32 $0x0;
	[bflag:$0x0] =	sbarrier.arrive $0xFFFF  }
0x2b: {  	[tilespmem:s21], [sflag:$0x1] =	stream.linear.gather [hbm4b:s10+s21], $0x2800, $0x38;
	[tilespmem:$0x8800] =	vst v63  }
0x2c: {  	_ =	swait.ge [sflag:s15], $0x2800  }
0x2d: {  	[sflag:s15] =	ssyncset.done $0x0  }
0x2e: {  	[sflag:s15] =	ssyncadd.s32 $0xFFFFD800  }
0x2f: {  	[tilespmem:s16], [sflag:$0x1] =	stream.linear.gather [hbm4b:s11+s21], $0x2800, $0x38;
	[tilespmem:$0x8800] =	vst v63  }
0x30: {  	_ =	swait.ge [sflag:s15], $0x2800  }
0x31: {  	[sflag:s15] =	ssyncset.done $0x0  }
0x32: {  	s30 =	simm.s32 $0x0;
	[sflag:s15] =	ssyncadd.s32 $0xFFFFD800  }
0x33: {  	[tilespmem:s18], [sflag:$0x1] =	stream.indirect.gather [hbm4b:s2+s17], $0x10, s30, s17, $0xb8;
	[tilespmem:$0x8800] =	vst v63  }
0x34: {  	_ =	swait.ge [sflag:s15], $0x800  }
0x35: {  	[sflag:s15] =	ssyncset.done $0x0  }
0x36: {  	s31 =	simm.s32 $0x2800;
	[sflag:s15] =	ssyncadd.s32 $0xFFFFF800  }
0x37: {  	[spmem:s3] =	stream.indirect.scatter.add.f32 [tilespmem:s18], [sflag:$0x1], $0x10, s31, s17, $0xb8;
	[tilespmem:$0x8800] =	vst v63  }
0x38: {  	_ =	swait.ge [sflag:s15], $0x800  }
0x39: {  	s22 =	simm.s32 $0x400;
	s21 =	simm.s32 $0x200;
	[sflag:s15] =	ssyncset.done $0x0  }
.LBB2_4:
0x3a: {  	s23 =	sshra.s32 s21, $0x2  }
0x3b: {  	[sflag:s15] =	ssyncadd.s32 $0xFFFFF800;
	s21 =	smov.u32 s22;
	s24 =	sadd.s32 $0x200, s22  }
0x3c: {  	[tilespmem:s18], [sflag:$0x1] =	stream.indirect.gather [hbm4b:s2+s17], $0x10, s23, s17, $0xb8;
	[tilespmem:$0x8800] =	vst v63  }
0x3d: {  	p0 =	sne.s32 s22, $0x9E00;
	_ =	swait.ge [sflag:s15], $0x800  }
.Ltmp1:
0x3e: {  	[sflag:s15] =	ssyncset.done $0x0;
	(pc) =	sbr.rel @p0 .LBB2_4-.Ltmp1, $4  }
0x3f: {  	s22 =	sadd.s32 $0x2800, s23;
	[sflag:s15] =	ssyncadd.s32 $0xFFFFF800  }
0x40: {  	[spmem:s3] =	stream.indirect.scatter.add.f32 [tilespmem:s18], [sflag:$0x1], $0x10, s22, s17, $0xb8;
	[tilespmem:$0x8800] =	vst v63  }
0x41: {  	_ =	swait.ge [sflag:s15], $0x800  }
0x42: {  	s22 =	smov.u32 s24;
	[sflag:s15] =	ssyncset.done $0x0  }
0x43: {  	s21 =	sshra.s32 s21, $0x2;
	[sflag:s15] =	ssyncadd.s32 $0xFFFFF800  }
0x44: {  	[tilespmem:s18], [sflag:$0x1] =	stream.indirect.gather [hbm4b:s2+s17], $0x10, s21, s17, $0xb8;
	[tilespmem:$0x8800] =	vst v63  }
0x45: {  	_ =	swait.ge [sflag:s15], $0x800  }
0x46: {  	[sflag:s15] =	ssyncset.done $0x0  }
0x47: {  	s21 =	sadd.s32 $0x2800, s21;
	[sflag:s15] =	ssyncadd.s32 $0xFFFFF800  }
0x48: {  	[spmem:s3] =	stream.indirect.scatter.add.f32 [tilespmem:s18], [sflag:$0x1], $0x10, s21, s17, $0xb8;
	[tilespmem:$0x8800] =	vst v63  }
0x49: {  	_ =	swait.ge [sflag:s15], $0x800  }
0x4a: {  	s4 =	sadd.s32 $0x1, s4;
	[sflag:s15] =	ssyncset.done $0x0  }
0x4b: {  	p0 =	sne.s32 s4, s13;
	[sflag:s15] =	ssyncadd.s32 $0xFFFFF800  }
.Ltmp2:
0x4c: {  	[bflag:$0x0] =	sbarrier.arrive $0xFFFF;
	(pc) =	sbr.rel @p0 .LBB2_1-.Ltmp2, $4  }
0x4d: {  	[hbm:s12], [sflag:s19] =	dma.local [spmem:s20], $0x500  }
0x4e: {  	_ =	swait.ge [sflag:s15], $0x500  }
0x4f: {  	[sflag:s15] =	ssyncset.done $0x0  }
0x50: {  	[sflag:s15] =	ssyncadd.s32 $0xFFFFFB00  }
0x51: {  	_ =	sfence.sel $0x180000  }
0x52: {  	[bflag:$0x0] =	sbarrier.arrive $0xFFFF  }
0x53: {  	p0 =	sne.s32 s0, $0x0;
	_ =	strace $0x9000004D  }
0x54: {  	s0 =	sadd.s32 @!p0 $0x100000, s1;
	[bflag:$0x2] =	sbarrier.arrive $0xFFFF  }
0x55: {  	[sflag:s0] =	ssyncadd.tile.s32 @!p0 $0x1;
	_ =	shalt  }
.Lfunc_end2:
_tile_overlayer_lowered:
.L_overlay_start_2:
0x56: {  	(tag) =	ssettag $0x2  }
0x57: {  	s0 =	rddreg [dreg:$0x0];
	s2 =	stileid.u32  }
0x58: {  	s1 =	rddreg [dreg:$0x1];
	p0 =	sne.s32 s2, $0x0  }
0x59: {  	s3 =	rddreg [dreg:$0x2];
	[bflag:$0x3] =	sbarrier.arrive $0xFFFF;
	s2 =	simm.s32 @!p0 $0x1C01  }
0x5a: {  	[timem:s3], [sflag:s2] =	dma.local @!p0 [hbm:s0], s1  }
0x5b: {  	s0 =	simm.s32 @!p0 $0x1  }
0x5c: {  	_ =	swait.ge @!p0 [sflag:s0], s1  }
0x5d: {  	s1 =	ssub.s32 @!p0 $0x0, s1;
	[sflag:s0] =	ssyncset.done @!p0 $0x0  }
0x5e: {  	[sflag:s0] =	ssyncadd.s32 @!p0 s1  }
0x5f: {  	[bflag:$0x3] =	sbarrier.arrive $0xFFFF  }
0x60: {  	_ =	shalt  }

// kernel: kernel.8.cloned.1.call-start
scs
__scs_entry_jumppad:
0x0: {  	(pc) =	sbr.rel $0x88, $3  }
0x1: {  	(tag) =	ssettag $0x0;
	lr =	simm.s32 $0x1  }
0x2: {  	[smem:$0x3F9B] =	sst lr;
	_ =	strace $0xD0000000  }
0x3: {  	_ = 	snop  }
0x4: {  	_ = 	snop  }
0x5: {  	_ = 	snop  }
0x6: {  	_ = 	snop  }
0x7: {  	_ = 	snop  }
__scs_overlays_trampoline_lowered:
0x8: {  	[smem:$0x3FAA] =	sst s0  }
0x9: {  	[smem:$0x3FAB] =	sst s1  }
0xa: {  	[smem:$0x3FAC] =	sst s2  }
0xb: {  	[smem:$0x3FAD] =	sst s3  }
0xc: {  	[smem:$0x3FAE] =	sst s4  }
0xd: {  	[smem:$0x3FAF] =	sst s5  }
0xe: {  	[smem:$0x3FB0] =	sst s6  }
0xf: {  	[smem:$0x3FB1] =	sst s7  }
0x10: {  	[smem:$0x3FB2] =	sst s8  }
0x11: {  	[smem:$0x3FB3] =	sst s9;
	s0 =	simm.s32 @!p0 $0x0  }
0x12: {  	s1 =	sld [smem:$0x3F99];
	s0 =	simm.s32 @p0 $0x1  }
0x13: {  	[smem:$0x3FB4] =	sst s0;
	s0 =	simm.s32 @!p1 $0x0  }
0x14: {  	s2 =	sld [smem:$0x3F98];
	s0 =	simm.s32 @p1 $0x1  }
0x15: {  	[smem:$0x3FB5] =	sst s0;
	s0 =	simm.s32 @!p2 $0x0  }
0x16: {  	s3 =	sld [smem:$0x3FDB];
	s0 =	simm.s32 @p2 $0x1  }
0x17: {  	s4 =	simm.s32 $0x1BF5;
	[smem:$0x3FB7] =	sst s0  }
0x18: {  	s0 =	sld [smem:$0x3F9A];
	_ =	swait.ge [sflag:s4], $0x0  }
0x19: {  	s7 =	sld [smem:$0x3F9B]  }
0x1a: {  	s8 =	sadd.s32 $0xFFFFE003, lr  }
0x1b: {  	s9 =	sadd.s32 $0xFFFFFEF7, lr;
	s5 =	simm.s32 $0xFFFFFFFF;
	p2 =	slt.u32 s8, $0xFFFFF086  }
0x1c: {  	p1 =	slt.u32 s9, $0xF7A;
	s5 =	simm.s32 @!p2 $0x0  }
0x1d: {  	s5 =	simm.s32 @p1 $0x1;
	p0 =	seq.s32 s7, s2  }
0x1e: {  	s7 =	smul.u32 @!p0 $0xF7A, s2;
	p2 =	seq.s32 @!p0 s5, $0x0  }
0x1f: {  	s9 =	smul.u32 $0xF7A, s1;
	s8 =	simm.s32 @!p0 $0x1BF5;
	p2 =	por !p2, p0  }
0x20: {  	[sflag:s8] =	ssyncset.s32 @!p0 $0xFFFFF086;
	s6 =	sadd.s32 @!p0 s3, s7;
	s7 =	simm.s32 @!p0 $0x108  }
0x21: {  	s3 =	sadd.s32 s3, s9;
	s6 =	sadd.s32 @!p0 $0x88, s6;
	s7 =	simm.s32 @p2 $0x1082  }
0x22: {  	[simem:s7], [sflag:s8] =	dma.local @!p0 [hbm:s6], $0xF7A  }
0x23: {  	s9 =	sor.u32 $0xD0000000, s2;
	s6 =	simm.s32 $0x108;
	_ =	swait.ge @!p0 [sflag:s8], $0x0  }
0x24: {  	s3 =	sadd.s32 $0x88, s3;
	s6 =	simm.s32 @!p1 $0x1082;
	[sflag:s4] =	ssyncset.s32 $0xFFFFF086  }
0x25: {  	[simem:s6], [sflag:s4] =	dma.local [hbm:s3], $0xF7A  }
0x26: {  	[smem:$0x3F9B] =	sst s1;
	(tag) =	ssettag s2;
	_ =	strace s9  }
0x27: {  	s1 =	sld [smem:$0x3FAB]  }
0x28: {  	s2 =	sld [smem:$0x3FAC]  }
0x29: {  	s4 =	sld [smem:$0x3FAE]  }
0x2a: {  	p0 =	seq.s32 s5, $0x0;
	s5 =	sld [smem:$0x3FAF]  }
0x2b: {  	s6 =	sld [smem:$0x3FB0]  }
0x2c: {  	s7 =	sld [smem:$0x3FB1]  }
0x2d: {  	s3 =	simm.s32 $0x108;
	s8 =	sld [smem:$0x3FB2]  }
0x2e: {  	s3 =	simm.s32 @!p0 $0x1082;
	s9 =	sld [smem:$0x3FB3]  }
0x2f: {  	lr =	sadd.s32 s0, s3;
	s0 =	sld [smem:$0x3FAA]  }
0x30: {  	s3 =	sld [smem:$0x3FAD]  }
0x31: {  	[smem:$0x3FB6] =	sst s10  }
0x32: {  	s10 =	sld [smem:$0x3FB4];
	_ =	sdelay $0x3  }
0x33: {  	p0 =	seq.s32 s10, $0x1;
	s10 =	sld [smem:$0x3FB6];
	_ =	sdelay $0x3  }
0x34: {  	[smem:$0x3FB6] =	sst s10  }
0x35: {  	s10 =	sld [smem:$0x3FB5];
	_ =	sdelay $0x3  }
0x36: {  	p1 =	seq.s32 s10, $0x1;
	s10 =	sld [smem:$0x3FB6];
	_ =	sdelay $0x3  }
0x37: {  	[smem:$0x3FB6] =	sst s10  }
0x38: {  	s10 =	sld [smem:$0x3FB7]  }
0x39: {  	_ = 	snop;
	(pc) =	sbr.ind lr, $3  }
0x3a: {  	_ = 	snop  }
0x3b: {  	_ = 	snop  }
0x3c: {  	p2 =	seq.s32 s10, $0x1;
	s10 =	sld [smem:$0x3FB6]  }
0x3d: {  	_ =	shalt  }
0x3e: {  	_ =	shalt  }
0x3f: {  	_ =	shalt  }
0x40: {  	_ =	shalt  }
0x41: {  	_ =	shalt  }
0x42: {  	_ =	shalt  }
0x43: {  	_ =	shalt  }
0x44: {  	_ =	shalt  }
0x45: {  	_ =	shalt  }
0x46: {  	_ =	shalt  }
0x47: {  	_ =	shalt  }
0x48: {  	_ =	shalt  }
0x49: {  	_ =	shalt  }
0x4a: {  	_ =	shalt  }
0x4b: {  	_ =	shalt  }
0x4c: {  	_ =	shalt  }
0x4d: {  	_ =	shalt  }
0x4e: {  	_ =	shalt  }
0x4f: {  	_ =	shalt  }
0x50: {  	_ =	shalt  }
0x51: {  	_ =	shalt  }
0x52: {  	_ =	shalt  }
0x53: {  	_ =	shalt  }
0x54: {  	_ =	shalt  }
0x55: {  	_ =	shalt  }
0x56: {  	_ =	shalt  }
0x57: {  	_ =	shalt  }
0x58: {  	_ =	shalt  }
0x59: {  	_ =	shalt  }
0x5a: {  	_ =	shalt  }
0x5b: {  	_ =	shalt  }
0x5c: {  	_ =	shalt  }
0x5d: {  	_ =	shalt  }
0x5e: {  	_ =	shalt  }
0x5f: {  	_ =	shalt  }
0x60: {  	_ =	shalt  }
0x61: {  	_ =	shalt  }
0x62: {  	_ =	shalt  }
0x63: {  	_ =	shalt  }
0x64: {  	_ =	shalt  }
0x65: {  	_ =	shalt  }
0x66: {  	_ =	shalt  }
0x67: {  	_ =	shalt  }
0x68: {  	_ =	shalt  }
0x69: {  	_ =	shalt  }
0x6a: {  	_ =	shalt  }
0x6b: {  	_ =	shalt  }
0x6c: {  	_ =	shalt  }
0x6d: {  	_ =	shalt  }
0x6e: {  	_ =	shalt  }
0x6f: {  	_ =	shalt  }
0x70: {  	_ =	shalt  }
0x71: {  	_ =	shalt  }
0x72: {  	_ =	shalt  }
0x73: {  	_ =	shalt  }
0x74: {  	_ =	shalt  }
0x75: {  	_ =	shalt  }
0x76: {  	_ =	shalt  }
0x77: {  	_ =	shalt  }
0x78: {  	_ =	shalt  }
0x79: {  	_ =	shalt  }
0x7a: {  	_ =	shalt  }
0x7b: {  	_ =	shalt  }
0x7c: {  	_ =	shalt  }
0x7d: {  	_ =	shalt  }
0x7e: {  	_ =	shalt  }
0x7f: {  	_ =	shalt  }
0x80: {  	_ =	shalt  }
0x81: {  	_ =	shalt  }
0x82: {  	_ =	shalt  }
0x83: {  	_ =	shalt  }
0x84: {  	_ =	shalt  }
0x85: {  	_ =	shalt  }
0x86: {  	_ =	shalt  }
0x87: {  	_ =	shalt  }
.Lfunc_end0:
.L_simem_size_0:
called_computation_lowered:
.L_overlay_start_0:
0x88: {  	s2 =	sld [smem:$0x3FD9]  }
0x89: {  	s3 =	sld [smem:$0x3FFE];
	_ =	sdelay $0x1  }
0x8a: {  	s1 =	srdreg.scid  }
0x8b: {  	s0 =	sand.u32 $0x1, s1  }
0x8c: {  	s16 =	sshll.u32 s0, $0xA;
	s2 =	sadd.s32 s3, s2  }
0x8d: {  	s2 =	sadd.s32 s2, s16  }
0x8e: {  	[smem:$0x3FC2] =	sst s2  }
0x8f: {  	_ = 	snop  }
0x90: {  	(tm) =	ssettm $0x1  }
0x91: {  	s17 =	sld [smem:$0x3FFB];
	_ =	sdelay $0x3  }
0x92: {  	_ =	strace s17  }
0x93: {  	s2 =	sld [smem:$0x3FFC];
	_ =	sdelay $0x3  }
0x94: {  	_ =	strace s2  }
0x95: {  	s2 =	sld [smem:$0x3FFD];
	_ =	sdelay $0x3  }
0x96: {  	_ =	strace s2  }
0x97: {  	_ =	strace $0x8FFFFFFF  }
0x98: {  	s18 =	sld [smem:$0x3FDB];
	_ =	sdelay $0x1  }
0x99: {  	s19 =	simm.s32 $_scs_section_size  }
0x9a: {  	s4 =	simm.s32 $_size__tile_overlayer_lowered;
	s5 =	simm.s32 $_tile_overlayer_lowered  }
0x9b: {  	s22 =	simm.s32 $0x1BFF;
	s21 =	sshll.u32 s5, $0x1;
	s2 =	sadd.s32 s19, s18  }
0x9c: {  	s6 =	simm.s32 $0x0;
	s20 =	sshll.u32 s4, $0x1;
	s4 =	sadd.s32 s21, s2  }
0x9d: {  	[timem:s6], [sflag:s22] =	dma.local [hbm:s4], s20  }
0x9e: {  	_ =	swait.ge [sflag:s22], s20  }
0x9f: {  	s3 =	ssub.s32 $0x0, s20;
	[sflag:s22] =	ssyncset.done $0x0  }
0xa0: {  	[sflag:s22] =	ssyncadd.s32 s3;
	_ =	sdelay $0x1  }
0xa1: {  	s23 =	simm.s32 $0x1B8B  }
0xa2: {  	_ =	swait.ge [sflag:s23], $0x1  }
0xa3: {  	[sflag:s23] =	ssyncset.done $0x0  }
0xa4: {  	s25 =	simm.s32 $0x1B8E;
	s24 =	sld [smem:$0x3FFE];
	[sflag:s23] =	ssyncadd.s32 $0xFFFFFFFF  }
0xa5: {  	s26 =	simm.s32 $execute0_lowered;
	[smem:$0x3FD2] =	sst s25  }
0xa6: {  	s4 =	sshll.u32 s26, $0x1;
	_ =	strace $0x80000046;
	[dreg:$0x1] =	wrdreg $0xFFFFFFFF  }
0xa7: {  	s28 =	simm.s32 $_size_execute0_lowered;
	s2 =	sadd.s32 s2, s4;
	[dreg:$0x0] =	wrdreg $0x0  }
0xa8: {  	s4 =	sshll.u32 s28, $0x1;
	[dreg:$0x2] =	wrdreg s2  }
0xa9: {  	[dreg:$0x3] =	wrdreg s4  }
0xaa: {  	[dreg:$0x4] =	wrdreg $0xC0  }
0xab: {  	_ =	task [dreg:s6], $0x5FFFF  }
0xac: {  	[dreg:$0x1] =	wrdreg $0xFFFFFFFF  }
0xad: {  	[dreg:$0x0] =	wrdreg $0x60  }
0xae: {  	[dreg:$0x2] =	wrdreg s24  }
0xaf: {  	[dreg:$0x3] =	wrdreg $0x38000  }
0xb0: {  	[dreg:$0x4] =	wrdreg $0x9  }
0xb1: {  	_ =	task.clear_ibuf [dreg:s6], $0x5FFFF;
	_ =	strace $0x90000046  }
0xb2: {  	s29 =	simm.s32 $0x9;
	_ =	strace $0x80000048  }
0xb3: {  	_ =	swait.ge [sflag:s29], $0x1  }
0xb4: {  	[sflag:s29] =	ssyncadd.s32 $0xFFFFFFFF  }
0xb5: {  	_ =	strace $0x90000048  }
0xb6: {  	_ =	sfence  }
0xb7: {  	s30 =	sld [smem:$0x0];
	_ =	sdelay $0x2  }
0xb8: {  	s31 =	sshll.u32 s1, $0xD;
	s1 =	sshrl.u32 s1, $0x2  }
0xb9: {  	s3 =	sand.u32 $0x4000, s31;
	s1 =	sadd.s32 s1, s30  }
0xba: {  	s0 =	sor.u32 s3, s0;
	s1 =	sshll.u32 s1, $0x11  }
0xbb: {  	s0 =	sor.u32 s1, s0  }
0xbc: {  	s0 =	sadd.s32 $0x8F2B, s0  }
0xbd: {  	[sflag:s0] =	ssyncadd.remote.s32 $0x1  }
0xbe: {  	_ =	sfence.sel $0xFFFF  }
0xbf: {  	[dreg:$0x0] =	wrdreg $0xFFFFFFFF;
	(pc) =	sbr.abs _section_cstart, $3  }
0xc0: {  	[dreg:$0x1] =	wrdreg $0xFFFFFFFF  }
0xc1: {  	_ =	task.clear_ibuf [dreg:s6], $0x2FFFF;
	_ =	strace $0x9FFFFFFF  }
0xc2: {  	(tm) =	ssettm $0x7FFFFFFF  }
0xc3: {  	_ =	shalt  }
tec
execute0_lowered:
.L_overlay_start_1:
0x0: {  	(tag) =	ssettag $0x1  }
0x1: {  	s5 =	rddreg [dreg:$0x0]  }
0x2: {  	s0 =	srdreg.scid;
	s2 =	rddreg [dreg:$0x1]  }
0x3: {  	s3 =	simm.s32 $0x0;
	s4 =	sand.u32 $0x1, s0;
	s0 =	stileid.u32  }
0x4: {  	s13 =	simm.s32 $0x1;
	s14 =	simm.s32 $0x80;
	s7 =	smul.u32 $0x2800, s0  }
0x5: {  	s15 =	simm.s32 $0x2800;
	[smem:$0x7FF] =	sst s3;
	s8 =	smul.u32 $0x28000, s4  }
0x6: {  	s1 =	sshll.u32 s4, $0x4;
	s9 =	smul.u32 $0xA000, s0;
	s4 =	ssub.s32 $0x2, s4  }
0x7: {  	s16 =	sshll.u32 s0, $0x6;
	s1 =	sor.u32 s0, s1;
	s30 =	sshrl.u32 s4, $0x1  }
0x8: {  	s16 =	sor.u32 $0x1C01, s16;
	s6 =	smul.u32 $0x500, s1;
	s1 =	rddreg [dreg:$0x2]  }
0x9: {  	_ =	strace $0x80000047;
	s29 =	sadd.s32 s7, s8;
	s9 =	sshrl.u32 s9, $0x2  }
0xa: {  	s12 =	ssub.s32 s4, s30;
	s4 =	sadd.s32 s7, s2;
	s31 =	sadd.s32 s9, s2  }
0xb: {  	s17 =	sshrl.u32 s4, $0x3;
	s10 =	sadd.s32 s6, s5;
	s6 =	sshrl.u32 s29, $0x3  }
0xc: {  	s7 =	sadd.s32 $0x1800, s31;
	s8 =	sadd.s32 $0x2000, s31;
	s11 =	sadd.s32 s6, s5  }
0xd: {  	s5 =	sadd.s32 $0x800, s31;
	s6 =	sadd.s32 $0x1000, s31;
	s9 =	sadd.s32 $0x1A00, s10  }
0xe: {  	v0 =	vimm.f32 $0.0e+00;
	v1 =	vimm.f32 $1.000000000e+00;
	s10 =	sadd.s32 $0xBA00, s11;
	s11 =	smax.u32 s12, $0x1;
	s12 =	simm.s32 $0x3000  }
.LBB2_1:
0xf: {  	s18 =	simm.s32 $0x0  }
.LBB2_2:
0x10: {  	p0 =	sne.s32 s18, $0x1FC0  }
.Ltmp0:
0x11: {  	_ = 	snop;
	(pc) =	sbr.rel @p0 .LBB2_2-.Ltmp0, $3  }
0x12: {  	_ =	sdelay $0x1  }
0x13: {  	s19 =	sshra.s32 s18, $0x2  }
0x14: {  	s18 =	sadd.s32 $0x40, s18;
	[tilespmem:s19+$0x3000] =	vst v0  }
0x15: {  	s18 =	simm.s32 $0x40;
	s19 =	simm.s32 $0x0  }
.LBB2_4:
0x16: {  	p0 =	sne.s32 s18, $0x1FC0;
	[tilespmem:s19+$0x2800] =	vst v1;
	s19 =	smov.u32 s18;
	s18 =	sadd.s32 $0x40, s18  }
.Ltmp1:
0x17: {  	(pc) =	sbr.rel @p0 .LBB2_4-.Ltmp1, $2  }
0x18: {  	_ =	sdelay $0x2  }
0x19: {  	s19 =	sshra.s32 s19, $0x2  }
0x1a: {  	[tilespmem:s19+$0x2800] =	vst v1  }
0x1b: {  	[spmem:s4] =	stream.linear.scatter [tilespmem:s12], [sflag:$0x1], $0x800, $0x38;
	[tilespmem:$0x6000] =	vst v63  }
0x1c: {  	_ =	swait.ge [sflag:s13], $0x800  }
0x1d: {  	[sflag:s13] =	ssyncset.done $0x0  }
0x1e: {  	[sflag:s13] =	ssyncadd.s32 $0xFFFFF800  }
0x1f: {  	[spmem:s5] =	stream.linear.scatter [tilespmem:s12], [sflag:$0x1], $0x800, $0x38;
	[tilespmem:$0x6000] =	vst v63  }
0x20: {  	_ =	swait.ge [sflag:s13], $0x800  }
0x21: {  	[sflag:s13] =	ssyncset.done $0x0  }
0x22: {  	[sflag:s13] =	ssyncadd.s32 $0xFFFFF800  }
0x23: {  	[spmem:s6] =	stream.linear.scatter [tilespmem:s12], [sflag:$0x1], $0x800, $0x38;
	[tilespmem:$0x6000] =	vst v63  }
0x24: {  	_ =	swait.ge [sflag:s13], $0x800  }
0x25: {  	[sflag:s13] =	ssyncset.done $0x0  }
0x26: {  	[sflag:s13] =	ssyncadd.s32 $0xFFFFF800  }
0x27: {  	[spmem:s7] =	stream.linear.scatter [tilespmem:s12], [sflag:$0x1], $0x800, $0x38;
	[tilespmem:$0x6000] =	vst v63  }
0x28: {  	_ =	swait.ge [sflag:s13], $0x800  }
0x29: {  	[sflag:s13] =	ssyncset.done $0x0  }
0x2a: {  	[sflag:s13] =	ssyncadd.s32 $0xFFFFF800  }
0x2b: {  	[spmem:s8] =	stream.linear.scatter [tilespmem:s12], [sflag:$0x1], $0x800, $0x38;
	[tilespmem:$0x6000] =	vst v63  }
0x2c: {  	_ =	swait.ge [sflag:s13], $0x800  }
0x2d: {  	[sflag:s13] =	ssyncset.done $0x0  }
0x2e: {  	[sflag:s13] =	ssyncadd.s32 $0xFFFFF800  }
0x2f: {  	s18 =	simm.s32 $0x0;
	[bflag:$0x0] =	sbarrier.arrive $0xFFFF  }
0x30: {  	[tilespmem:s18], [sflag:$0x1] =	stream.linear.gather [hbm4b:s9+s18], $0x2800, $0x38;
	[tilespmem:$0x6000] =	vst v63  }
0x31: {  	_ =	swait.ge [sflag:s13], $0x2800  }
0x32: {  	[sflag:s13] =	ssyncset.done $0x0  }
0x33: {  	s31 =	simm.s32 $0x0;
	[sflag:s13] =	ssyncadd.s32 $0xFFFFD800  }
0x34: {  	[spmem:s2] =	stream.indirect.scatter.add.f32 [tilespmem:s15], [sflag:$0x1], $0x10, s31, s14, $0xb8;
	[tilespmem:$0x6000] =	vst v63  }
0x35: {  	_ =	swait.ge [sflag:s13], $0x800  }
0x36: {  	s18 =	simm.s32 $0x200;
	[sflag:s13] =	ssyncset.done $0x0  }
.LBB2_6:
0x37: {  	s19 =	sshra.s32 s18, $0x2;
	[sflag:s13] =	ssyncadd.s32 $0xFFFFF800;
	p0 =	sne.s32 s18, $0x9E00  }
0x38: {  	[spmem:s2] =	stream.indirect.scatter.add.f32 [tilespmem:s15], [sflag:$0x1], $0x10, s19, s14, $0xb8;
	[tilespmem:$0x6000] =	vst v63  }
.Ltmp2:
0x39: {  	_ = 	snop;
	(pc) =	sbr.rel @p0 .LBB2_6-.Ltmp2, $4  }
0x3a: {  	_ = 	snop  }
0x3b: {  	s18 =	sadd.s32 $0x200, s18  }
0x3c: {  	_ =	swait.ge [sflag:s13], $0x800  }
0x3d: {  	[sflag:s13] =	ssyncset.done $0x0  }
0x3e: {  	s3 =	sadd.s32 $0x1, s3  }
0x3f: {  	[sflag:s13] =	ssyncadd.s32 $0xFFFFF800;
	p0 =	sne.s32 s3, s11  }
.Ltmp3:
0x40: {  	[bflag:$0x0] =	sbarrier.arrive $0xFFFF;
	(pc) =	sbr.rel @p0 .LBB2_1-.Ltmp3, $4  }
0x41: {  	[hbm:s10], [sflag:s16] =	dma.local [spmem:s17], $0x500  }
0x42: {  	_ =	swait.ge [sflag:s13], $0x500  }
0x43: {  	[sflag:s13] =	ssyncset.done $0x0  }
0x44: {  	[sflag:s13] =	ssyncadd.s32 $0xFFFFFB00  }
0x45: {  	_ =	sfence.sel $0x180000  }
0x46: {  	[bflag:$0x0] =	sbarrier.arrive $0xFFFF  }
0x47: {  	p0 =	sne.s32 s0, $0x0;
	_ =	strace $0x90000047  }
0x48: {  	s0 =	sadd.s32 @!p0 $0x100000, s1;
	[bflag:$0x2] =	sbarrier.arrive $0xFFFF  }
0x49: {  	[sflag:s0] =	ssyncadd.tile.s32 @!p0 $0x1;
	_ =	shalt  }
.Lfunc_end2:
_tile_overlayer_lowered:
.L_overlay_start_2:
0x4a: {  	(tag) =	ssettag $0x2  }
0x4b: {  	s0 =	rddreg [dreg:$0x0];
	s2 =	stileid.u32  }
0x4c: {  	s1 =	rddreg [dreg:$0x1];
	p0 =	sne.s32 s2, $0x0  }
0x4d: {  	s3 =	rddreg [dreg:$0x2];
	[bflag:$0x3] =	sbarrier.arrive $0xFFFF;
	s2 =	simm.s32 @!p0 $0x1C01  }
0x4e: {  	[timem:s3], [sflag:s2] =	dma.local @!p0 [hbm:s0], s1  }
0x4f: {  	s0 =	simm.s32 @!p0 $0x1  }
0x50: {  	_ =	swait.ge @!p0 [sflag:s0], s1  }
0x51: {  	s1 =	ssub.s32 @!p0 $0x0, s1;
	[sflag:s0] =	ssyncset.done @!p0 $0x0  }
0x52: {  	[sflag:s0] =	ssyncadd.s32 @!p0 s1  }
0x53: {  	[bflag:$0x3] =	sbarrier.arrive $0xFFFF  }
0x54: {  	_ =	shalt  }

</sc_bundles>
